<compile_context>
chip_gen: v7x
topology: tpu7x:2x2x1
jax: 0.10.2.dev20260603
libtpu: 0.0.44.dev20260713+nightly
codegen_flags: <defaults>
</compile_context>

<pallas_src>
import dataclasses
import functools

import jax
import jax.numpy as jnp
from jax import lax
from jax.experimental import pallas as pl
from jax.experimental.pallas import tpu as pltpu
from jax.experimental.pallas import tpu_sc as plsc

N = 10000
E = 320000
F = 128
R = 16

NC = 2
NS = 16
NW = NC * NS
K = 80
NSUP = 5
G = 25
ZK = min(K, 80)
ZCHUNKS = N // ZK
NWRITE = 10
WROWS = N // NWRITE
NB = 1000
NBLK = N // NB
HB = 1000
HBLK = N // HB
HROWS = 8
NVEC = N // 16
GK = G * K
DSUP = NSUP

C_SELF = 0.2


def _hr_body(x_ref, w_ref, o_ref):
    x = x_ref[...]
    for r in range(R):
        o_ref[r] = jnp.dot(x, w_ref[r], preferred_element_type=jnp.float32)


def _compute_hr(features, weight_r):
    return pl.pallas_call(
        _hr_body,
        grid=(HBLK,),
        in_specs=[
            pl.BlockSpec((HB, F), lambda i: (i, 0)),
            pl.BlockSpec((R, F, F), lambda i: (0, 0, 0)),
        ],
        out_specs=pl.BlockSpec((R, HB, F), lambda i: (0, i, 0)),
        out_shape=jax.ShapeDtypeStruct((R, N, F), jnp.float32),
    )(features, weight_r)


def _sc_degree(dst_deg, rowbase, lanes):
    mesh = plsc.VectorSubcoreMesh(core_axis_name="c", subcore_axis_name="s")
    cp = pltpu.CompilerParams()
    if "needs_layout_passes" in pltpu.CompilerParams.__dataclass_fields__:
        cp = dataclasses.replace(cp, needs_layout_passes=False)

    @functools.partial(
        pl.kernel,
        out_type=jax.ShapeDtypeStruct((NW, 1, N), jnp.float32),
        mesh=mesh,
        compiler_params=cp,
        scratch_types=[
            pltpu.VMEM((GK,), jnp.int32),
            pltpu.VMEM((HROWS * N,), jnp.float32),
            pltpu.VMEM((N,), jnp.float32),
            pltpu.VMEM((16,), jnp.int32),
            pltpu.VMEM((16,), jnp.int32),
        ],
    )
    def body(cmb_hbm, rb_hbm, ln_hbm, d_out, dst_v, hist_v, red_v, rb_v, ln_v):
        cid = lax.axis_index("c")
        sid = lax.axis_index("s")
        wid = sid * NC + cid

        pltpu.sync_copy(rb_hbm, rb_v)
        pltpu.sync_copy(ln_hbm, ln_v)

        zeros = jnp.zeros((16,), jnp.float32)

        @pl.loop(0, NVEC)
        def _(j):
            for r in range(HROWS):
                hist_v[pl.ds(r * N + j * 16, 16)] = zeros

        rowbase16 = rb_v[...]
        lanes16 = ln_v[...]
        lo = lanes16 < HROWS
        hi = lanes16 >= HROWS
        ones16 = jnp.full((16,), 1.0, jnp.float32)

        @pl.loop(0, DSUP)
        def _(g):
            pltpu.sync_copy(cmb_hbm.at[wid, g, 0], dst_v)

            @pl.loop(0, GK // 16)
            def _(j):
                d16 = dst_v[pl.ds(j * 16, 16)] & (2 ** 14 - 1)
                flat = rowbase16 + d16
                plsc.addupdate_scatter(hist_v, [flat], ones16, mask=lo)
                plsc.addupdate_scatter(hist_v, [flat], ones16, mask=hi)

        @pl.loop(0, NVEC)
        def _(j):
            acc = hist_v[pl.ds(j * 16, 16)]
            for r in range(1, HROWS):
                acc = acc + hist_v[pl.ds(r * N + j * 16, 16)]
            red_v[pl.ds(j * 16, 16)] = acc

        pltpu.sync_copy(red_v, d_out.at[wid, 0])

    return body(dst_deg, rowbase, lanes)


def _sc_aggregate(hr_flat, combo4):
    mesh = plsc.VectorSubcoreMesh(core_axis_name="c", subcore_axis_name="s")

    @functools.partial(
        pl.kernel,
        out_type=[jax.ShapeDtypeStruct((NC, N, F), jnp.float32)],
        mesh=mesh,
        scratch_types=[
            pltpu.VMEM((G, K), jnp.int32),
            pltpu.VMEM((G, K), jnp.int32),
            pltpu.VMEM((G, K), jnp.int32),
            pltpu.VMEM((K, F), jnp.float32),
            pltpu.VMEM((K, F), jnp.float32),
            pltpu.VMEM_SHARED((N, F), jnp.float32),
            pltpu.SemaphoreType.DMA,
            pltpu.SemaphoreType.DMA,
            pltpu.SemaphoreType.DMA,
            pltpu.SemaphoreType.DMA,
        ],
    )
    def body(hr_hbm, cmb_hbm, m_out,
             cmb_v, dst_v, fidx_v, rows_a, rows_b, m_sh,
             sem_ga, sem_gb, sem_sa, sem_sb):
        cid = lax.axis_index("c")
        sid = lax.axis_index("s")
        wid = sid * NC + cid

        def fire_gather(c, buf, sem):
            pltpu.async_copy(hr_hbm.at[fidx_v.at[c]], buf, sem)

        def wait_gather(buf, sem):
            pltpu.make_async_copy(hr_hbm.at[pl.ds(0, K)], buf, sem).wait()

        def fire_scatter(c, buf, sem):
            pltpu.async_copy(buf, m_sh.at[dst_v.at[c]], sem, add=True)

        def wait_scatter(buf, sem):
            pltpu.make_async_copy(buf, m_sh.at[pl.ds(0, K)], sem).wait()

        @pl.loop(0, ZK)
        def _(i):
            @pl.loop(0, F // 16)
            def _(j):
                rows_a[i, pl.ds(j * 16, 16)] = jnp.zeros((16,), jnp.float32)

        zsrc = rows_a.at[pl.ds(0, ZK)]

        @pl.loop(0, (ZCHUNKS + NS - 1) // NS)
        def _(t):
            z = sid + t * NS

            @pl.when(z < ZCHUNKS)
            def _():
                pltpu.sync_copy(zsrc, m_sh.at[pl.ds(z * ZK, ZK)])

        plsc.subcore_barrier()

        @pl.loop(0, NSUP)
        def _(g):
            pltpu.sync_copy(cmb_hbm.at[wid, g], cmb_v)

            @pl.loop(0, G)
            def _(r):
                @pl.loop(0, K // 16)
                def _(j):
                    sl = pl.ds(j * 16, 16)
                    v = cmb_v[r, sl]
                    fidx_v[r, sl] = lax.shift_right_logical(v, 14)
                    dst_v[r, sl] = v & (2 ** 14 - 1)

            fire_gather(0, rows_a, sem_ga)

            @pl.loop(0, G // 2)
            def _(p):
                c0 = 2 * p
                wait_gather(rows_a, sem_ga)
                fire_gather(c0 + 1, rows_b, sem_gb)
                fire_scatter(c0, rows_a, sem_sa)
                wait_gather(rows_b, sem_gb)
                wait_scatter(rows_a, sem_sa)
                fire_gather(c0 + 2, rows_a, sem_ga)
                fire_scatter(c0 + 1, rows_b, sem_sb)
                wait_scatter(rows_b, sem_sb)

            wait_gather(rows_a, sem_ga)
            fire_scatter(G - 1, rows_a, sem_sa)
            wait_scatter(rows_a, sem_sa)

        plsc.subcore_barrier()

        @pl.when(sid < NWRITE)
        def _():
            off = sid * WROWS
            pltpu.sync_copy(m_sh.at[pl.ds(off, WROWS)],
                            m_out.at[cid, pl.ds(off, WROWS)])

    return body(hr_flat, combo4)[0]


def _final_body(x_ref, m_ref, d_ref, o_ref):
    x = x_ref[...]
    m = m_ref[0] + m_ref[1]
    deg = d_ref[0]
    deg_safe = jnp.maximum(deg, 1.0)
    h = jnp.maximum(C_SELF * x + (1.0 - C_SELF) * (m / deg_safe), 0.0)
    o_ref[...] = jnp.where(deg > 0.0, h, x)


def _combine(features, m_p, d_col):
    return pl.pallas_call(
        _final_body,
        grid=(NBLK,),
        in_specs=[
            pl.BlockSpec((NB, F), lambda i: (i, 0)),
            pl.BlockSpec((NC, NB, F), lambda i: (0, i, 0)),
            pl.BlockSpec((1, NB, 1), lambda i: (i, 0, 0)),
        ],
        out_specs=pl.BlockSpec((NB, F), lambda i: (i, 0)),
        out_shape=jax.ShapeDtypeStruct((N, F), jnp.float32),
    )(features, m_p, d_col)


def kernel(features, weight_r, edge_index, edge_type):
    fidx1 = (edge_type.astype(jnp.uint32) * jnp.uint32(N)
             + edge_index[0].astype(jnp.uint32))
    cmb1 = (fidx1 << jnp.uint32(14)) | edge_index[1].astype(jnp.uint32)
    cmb1 = jax.lax.bitcast_convert_type(cmb1, jnp.int32)
    combo4 = cmb1.reshape(NW, NSUP, G, K)
    cmb_deg = cmb1.reshape(NW, DSUP, 1, GK)
    lanes = jnp.arange(16, dtype=jnp.int32)
    rowbase = (lanes & (HROWS - 1)) * N
    d_p = _sc_degree(cmb_deg, rowbase, lanes)
    x_bf = features.astype(jnp.bfloat16)
    w_bf = weight_r.astype(jnp.bfloat16)
    hr = _compute_hr(x_bf, w_bf).reshape(R * N, F)
    m_p = _sc_aggregate(hr, combo4)
    d_col = jnp.sum(d_p[:, 0, :], axis=0).reshape(NBLK, NB, 1)
    return _combine(features, m_p, d_col)

# --- scband reference (transcript-rebuilt; emitter-appended) ---
"""Pipeline reference for scband-mpnn-1-38792144617821 (READ-ONLY COPY).

The authoritative reference and input builder live on the scoring server;
editing this copy changes nothing except your own understanding.
"""

import jax, jax.numpy as jnp
import numpy as np
import math

N_NODES = 10000
N_EDGES = 320000
FEAT_DIM = 128
NUM_RELS = 16


def setup_inputs(seed: int = 0) -> dict:
    key = jax.random.key(seed)
    k1, k2, k3, k4 = jax.random.split(key, 4)
    features = jax.random.normal(k1, (N_NODES, FEAT_DIM), dtype=jnp.float32)
    edge_index = jax.random.randint(k2, (2, N_EDGES), 0, N_NODES, dtype=jnp.int32)
    edge_type = jax.random.randint(k3, (N_EDGES,), 0, NUM_RELS, dtype=jnp.int32)
    # xavier_uniform_ with gain=calculate_gain('relu')=sqrt(2) on tensor [num_rels, feat, feat]
    # PyTorch fan_in = size(1)*prod(size(2:)) = feat*feat ; fan_out = size(0)*prod(size(2:)) = num_rels*feat
    gain = math.sqrt(2.0)
    fan_in = FEAT_DIM * FEAT_DIM
    fan_out = NUM_RELS * FEAT_DIM
    std = gain * math.sqrt(2.0 / (fan_in + fan_out))
    bound = math.sqrt(3.0) * std
    weight_r = jax.random.uniform(k4, (NUM_RELS, FEAT_DIM, FEAT_DIM), dtype=jnp.float32,
                                  minval=-bound, maxval=bound)
    return {"features": features, "weight_r": weight_r,
            "edge_index": edge_index, "edge_type": edge_type}


def reference(features, weight_r, edge_index, edge_type):
    # Faithful translation of the DGL update_all with:
    #   msg  = (h_src @ W[rel]) / deg_dst
    #   red  = relu(c*h_i + (1-c) * sum(msg))
    # Nodes with no incoming messages keep their old h (DGL semantics).
    src = edge_index[0]
    dst = edge_index[1]
    n = features.shape[0]
    c = 0.2

    # in-degree of destination nodes (node data 'deg' in the original graph)
    deg = jnp.zeros((n,), dtype=jnp.float32).at[dst].add(1.0)
    deg_safe = jnp.maximum(deg, 1.0)

    # Equivalent reformulation of per-edge matmul h_j @ W[type]:
    # precompute H_r = features @ W_r for every relation, then gather per edge.
    # Same math as torch.matmul(h_j, w_r) with w_r = weight_r[edge_type].
    Hr = jnp.einsum('nd,rdf->rnf', features, weight_r)  # [R, N, F]
    msg = Hr[edge_type, src, :] / deg_safe[dst][:, None]  # [E, F]

    # sum over mailbox (scatter-add by dst)
    M = jnp.zeros_like(features).at[dst].add(msg)

    h_new = jax.nn.relu(c * features + (1.0 - c) * M)
    has_msg = (deg > 0)[:, None]
    return jnp.where(has_msg, h_new, features)


if False:  # reference __main__ guard neutralized (emitter)
    out = reference(**setup_inputs())
    print(out.shape, out.dtype)

if __name__ == "__main__":
    import jax
    _d = setup_inputs()
    print(jax.jit(kernel)(*tuple(_d.values())))

</pallas_src>

<mosaic_0001>
#map = affine_map<(d0, d1) -> (0, 0, 0, 0)>
#map1 = affine_map<(d0, d1) -> (0)>
#map2 = affine_map<(d0, d1) -> (0, 0, 0)>
module attributes {stable_mosaic.version = 14 : i64} {
  func.func @body(%arg0: i32, %arg1: i32, %arg2: memref<32x5x1x2000xi32, #tpu.memory_space<hbm>>, %arg3: memref<16xi32, #tpu.memory_space<hbm>>, %arg4: memref<16xi32, #tpu.memory_space<hbm>>, %arg5: memref<32x1x10000xf32, #tpu.memory_space<hbm>>, %arg6: memref<2000xi32, #tpu.memory_space<vmem>>, %arg7: memref<80000xf32, #tpu.memory_space<vmem>>, %arg8: memref<10000xf32, #tpu.memory_space<vmem>>, %arg9: memref<16xi32, #tpu.memory_space<vmem>>, %arg10: memref<16xi32, #tpu.memory_space<vmem>>) attributes {dimension_semantics = [#tpu.dimension_semantics<core_parallel>, #tpu.dimension_semantics<subcore_parallel>], iteration_bounds = array<i64: 2, 16>, scalar_prefetch = 0 : i64, scratch_operands = 5 : i64, tpu.core_type = #tpu.core_type<sc_vector_subcore>, window_params = [{transform_indices = #map}, {transform_indices = #map1}, {transform_indices = #map1}, {transform_indices = #map2}]} {
    %mul3A = arith.constant 2 : i32
    %mul3A_0 = arith.muli %arg1, %mul3A : i32
    %add3A = arith.addi %mul3A_0, %arg0 : i32
    "tpu.region"() ({
      %run_scoped3A_25 = tpu.sem_alloc : memref<!tpu.dma_semaphore, #tpu.memory_space<semaphore_mem>>
      tpu.enqueue_dma source(%arg3 : memref<16xi32, #tpu.memory_space<hbm>>) target(%arg9 : memref<16xi32, #tpu.memory_space<vmem>>) target_semaphore(%run_scoped3A_25 : memref<!tpu.dma_semaphore, #tpu.memory_space<semaphore_mem>>)
      tpu.wait_dma2 semaphore(%run_scoped3A_25 : memref<!tpu.dma_semaphore, #tpu.memory_space<semaphore_mem>>) src(%arg3 : memref<16xi32, #tpu.memory_space<hbm>>) dst(%arg9 : memref<16xi32, #tpu.memory_space<vmem>>)
      tpu.yield
    }) : () -> ()
    "tpu.region"() ({
      %run_scoped3A_25 = tpu.sem_alloc : memref<!tpu.dma_semaphore, #tpu.memory_space<semaphore_mem>>
      tpu.enqueue_dma source(%arg4 : memref<16xi32, #tpu.memory_space<hbm>>) target(%arg10 : memref<16xi32, #tpu.memory_space<vmem>>) target_semaphore(%run_scoped3A_25 : memref<!tpu.dma_semaphore, #tpu.memory_space<semaphore_mem>>)
      tpu.wait_dma2 semaphore(%run_scoped3A_25 : memref<!tpu.dma_semaphore, #tpu.memory_space<semaphore_mem>>) src(%arg4 : memref<16xi32, #tpu.memory_space<hbm>>) dst(%arg10 : memref<16xi32, #tpu.memory_space<vmem>>)
      tpu.yield
    }) : () -> ()
    %broadcast_in_dim3A = arith.constant 0.000000e+00 : f32
    %broadcast_in_dim3A_1 = vector.broadcast %broadcast_in_dim3A : f32 to vector<16xf32>
    %scan3A = arith.constant 0 : i32
    %scan3A_2 = arith.constant 625 : i32
    %scan3A_3 = arith.addi %scan3A, %scan3A_2 : i32
    %scan3A_4 = arith.constant 1 : i32
    scf.for %scan3A_25 = %scan3A to %scan3A_3 step %scan3A_4  : i32 {
      %mul3A_26 = arith.constant 1 : i32
      %mul3A_27 = arith.muli %scan3A_25, %mul3A_26 : i32
      %add3A_28 = arith.constant 0 : i32
      %add3A_29 = arith.addi %add3A_28, %mul3A_27 : i32
      %mul3A_30 = arith.constant 16 : i32
      %mul3A_31 = arith.muli %add3A_29, %mul3A_30 : i32
      %add3A_32 = arith.constant 0 : i32
      %add3A_33 = arith.addi %add3A_32, %mul3A_31 : i32
      %swap3A = arith.index_cast %add3A_33 : i32 to index
      %swap3A_34 = tpu.vector_load %arg7[%swap3A] {strides = array<i32>} : memref<80000xf32, #tpu.memory_space<vmem>>, vector<16xf32>,
      tpu.vector_store %arg7[%swap3A], %broadcast_in_dim3A_1 {strides = array<i32>} : memref<80000xf32, #tpu.memory_space<vmem>>, vector<16xf32>,
      %mul3A_35 = arith.constant 16 : i32
      %mul3A_36 = arith.muli %add3A_29, %mul3A_35 : i32
      %add3A_37 = arith.constant 10000 : i32
      %add3A_38 = arith.addi %add3A_37, %mul3A_36 : i32
      %swap3A_39 = arith.index_cast %add3A_38 : i32 to index
      %swap3A_40 = tpu.vector_load %arg7[%swap3A_39] {strides = array<i32>} : memref<80000xf32, #tpu.memory_space<vmem>>, vector<16xf32>,
      tpu.vector_store %arg7[%swap3A_39], %broadcast_in_dim3A_1 {strides = array<i32>} : memref<80000xf32, #tpu.memory_space<vmem>>, vector<16xf32>,
      %mul3A_41 = arith.constant 16 : i32
      %mul3A_42 = arith.muli %add3A_29, %mul3A_41 : i32
      %add3A_43 = arith.constant 20000 : i32
      %add3A_44 = arith.addi %add3A_43, %mul3A_42 : i32
      %swap3A_45 = arith.index_cast %add3A_44 : i32 to index
      %swap3A_46 = tpu.vector_load %arg7[%swap3A_45] {strides = array<i32>} : memref<80000xf32, #tpu.memory_space<vmem>>, vector<16xf32>,
      tpu.vector_store %arg7[%swap3A_45], %broadcast_in_dim3A_1 {strides = array<i32>} : memref<80000xf32, #tpu.memory_space<vmem>>, vector<16xf32>,
      %mul3A_47 = arith.constant 16 : i32
      %mul3A_48 = arith.muli %add3A_29, %mul3A_47 : i32
      %add3A_49 = arith.constant 30000 : i32
      %add3A_50 = arith.addi %add3A_49, %mul3A_48 : i32
      %swap3A_51 = arith.index_cast %add3A_50 : i32 to index
      %swap3A_52 = tpu.vector_load %arg7[%swap3A_51] {strides = array<i32>} : memref<80000xf32, #tpu.memory_space<vmem>>, vector<16xf32>,
      tpu.vector_store %arg7[%swap3A_51], %broadcast_in_dim3A_1 {strides = array<i32>} : memref<80000xf32, #tpu.memory_space<vmem>>, vector<16xf32>,
      %mul3A_53 = arith.constant 16 : i32
      %mul3A_54 = arith.muli %add3A_29, %mul3A_53 : i32
      %add3A_55 = arith.constant 40000 : i32
      %add3A_56 = arith.addi %add3A_55, %mul3A_54 : i32
      %swap3A_57 = arith.index_cast %add3A_56 : i32 to index
      %swap3A_58 = tpu.vector_load %arg7[%swap3A_57] {strides = array<i32>} : memref<80000xf32, #tpu.memory_space<vmem>>, vector<16xf32>,
      tpu.vector_store %arg7[%swap3A_57], %broadcast_in_dim3A_1 {strides = array<i32>} : memref<80000xf32, #tpu.memory_space<vmem>>, vector<16xf32>,
      %mul3A_59 = arith.constant 16 : i32
      %mul3A_60 = arith.muli %add3A_29, %mul3A_59 : i32
      %add3A_61 = arith.constant 50000 : i32
      %add3A_62 = arith.addi %add3A_61, %mul3A_60 : i32
      %swap3A_63 = arith.index_cast %add3A_62 : i32 to index
      %swap3A_64 = tpu.vector_load %arg7[%swap3A_63] {strides = array<i32>} : memref<80000xf32, #tpu.memory_space<vmem>>, vector<16xf32>,
      tpu.vector_store %arg7[%swap3A_63], %broadcast_in_dim3A_1 {strides = array<i32>} : memref<80000xf32, #tpu.memory_space<vmem>>, vector<16xf32>,
      %mul3A_65 = arith.constant 16 : i32
      %mul3A_66 = arith.muli %add3A_29, %mul3A_65 : i32
      %add3A_67 = arith.constant 60000 : i32
      %add3A_68 = arith.addi %add3A_67, %mul3A_66 : i32
      %swap3A_69 = arith.index_cast %add3A_68 : i32 to index
      %swap3A_70 = tpu.vector_load %arg7[%swap3A_69] {strides = array<i32>} : memref<80000xf32, #tpu.memory_space<vmem>>, vector<16xf32>,
      tpu.vector_store %arg7[%swap3A_69], %broadcast_in_dim3A_1 {strides = array<i32>} : memref<80000xf32, #tpu.memory_space<vmem>>, vector<16xf32>,
      %mul3A_71 = arith.constant 16 : i32
      %mul3A_72 = arith.muli %add3A_29, %mul3A_71 : i32
      %add3A_73 = arith.constant 70000 : i32
      %add3A_74 = arith.addi %add3A_73, %mul3A_72 : i32
      %swap3A_75 = arith.index_cast %add3A_74 : i32 to index
      %swap3A_76 = tpu.vector_load %arg7[%swap3A_75] {strides = array<i32>} : memref<80000xf32, #tpu.memory_space<vmem>>, vector<16xf32>,
      tpu.vector_store %arg7[%swap3A_75], %broadcast_in_dim3A_1 {strides = array<i32>} : memref<80000xf32, #tpu.memory_space<vmem>>, vector<16xf32>,
    }
    %scan3A_5 = arith.constant 625 : i32
    %get3A = arith.constant 0 : index
    %get3A_6 = tpu.vector_load %arg9[%get3A] {strides = array<i32>} : memref<16xi32, #tpu.memory_space<vmem>>, vector<16xi32>,
    %get3A_7 = arith.constant 0 : index
    %get3A_8 = tpu.vector_load %arg10[%get3A_7] {strides = array<i32>} : memref<16xi32, #tpu.memory_space<vmem>>, vector<16xi32>,
    %lt3A = arith.constant 8 : i32
    %lt3A_9 = vector.broadcast %lt3A : i32 to vector<16xi32>
    %lt3A_10 = arith.cmpi slt, %get3A_8, %lt3A_9 : vector<16xi32>
    %ge3A = arith.constant 8 : i32
    %ge3A_11 = vector.broadcast %ge3A : i32 to vector<16xi32>
    %ge3A_12 = arith.cmpi sge, %get3A_8, %ge3A_11 : vector<16xi32>
    %broadcast_in_dim3A_13 = arith.constant 1.000000e+00 : f32
    %broadcast_in_dim3A_14 = vector.broadcast %broadcast_in_dim3A_13 : f32 to vector<16xf32>
    %scan3A_15 = arith.constant 0 : i32
    %scan3A_16 = arith.constant 5 : i32
    %scan3A_17 = arith.addi %scan3A_15, %scan3A_16 : i32
    %scan3A_18 = arith.constant 1 : i32
    scf.for %scan3A_25 = %scan3A_15 to %scan3A_17 step %scan3A_18  : i32 {
      %mul3A_26 = arith.constant 1 : i32
      %mul3A_27 = arith.muli %scan3A_25, %mul3A_26 : i32
      %add3A_28 = arith.constant 0 : i32
      %add3A_29 = arith.addi %add3A_28, %mul3A_27 : i32
      %run_scoped3A_30 = arith.constant 0 : i32
      "tpu.region"() ({
        %run_scoped3A_36 = tpu.sem_alloc : memref<!tpu.dma_semaphore, #tpu.memory_space<semaphore_mem>>
        %dma_start3A = arith.constant 0 : i32
        %dma_start3A_37 = tpu.memref_slice %arg2[%add3A, %add3A_29, %run_scoped3A_30, %dma_start3A] : memref<32x5x1x2000xi32, #tpu.memory_space<hbm>> -> memref<1x1x1x2000xi32, #tpu.memory_space<hbm>>
        %dma_start3A_38 = tpu.memref_squeeze %dma_start3A_37 : memref<1x1x1x2000xi32, #tpu.memory_space<hbm>> -> memref<2000xi32, #tpu.memory_space<hbm>>
        %dma_start3A_39 = arith.constant 0 : i32
        %dma_start3A_40 = tpu.memref_slice %arg2[%add3A, %add3A_29, %run_scoped3A_30, %dma_start3A_39] : memref<32x5x1x2000xi32, #tpu.memory_space<hbm>> -> memref<1x1x1x2000xi32, #tpu.memory_space<hbm>>
        %dma_start3A_41 = tpu.memref_squeeze %dma_start3A_40 : memref<1x1x1x2000xi32, #tpu.memory_space<hbm>> -> memref<2000xi32, #tpu.memory_space<hbm>>
        tpu.enqueue_dma source(%dma_start3A_41 : memref<2000xi32, #tpu.memory_space<hbm>>) target(%arg6 : memref<2000xi32, #tpu.memory_space<vmem>>) target_semaphore(%run_scoped3A_36 : memref<!tpu.dma_semaphore, #tpu.memory_space<semaphore_mem>>)
        %dma_wait3A = arith.constant 0 : i32
        %dma_wait3A_42 = tpu.memref_slice %arg2[%add3A, %add3A_29, %run_scoped3A_30, %dma_wait3A] : memref<32x5x1x2000xi32, #tpu.memory_space<hbm>> -> memref<1x1x1x2000xi32, #tpu.memory_space<hbm>>
        %dma_wait3A_43 = tpu.memref_squeeze %dma_wait3A_42 : memref<1x1x1x2000xi32, #tpu.memory_space<hbm>> -> memref<2000xi32, #tpu.memory_space<hbm>>
        %dma_wait3A_44 = arith.constant 0 : i32
        %dma_wait3A_45 = tpu.memref_slice %arg2[%add3A, %add3A_29, %run_scoped3A_30, %dma_wait3A_44] : memref<32x5x1x2000xi32, #tpu.memory_space<hbm>> -> memref<1x1x1x2000xi32, #tpu.memory_space<hbm>>
        %dma_wait3A_46 = tpu.memref_squeeze %dma_wait3A_45 : memref<1x1x1x2000xi32, #tpu.memory_space<hbm>> -> memref<2000xi32, #tpu.memory_space<hbm>>
        tpu.wait_dma2 semaphore(%run_scoped3A_36 : memref<!tpu.dma_semaphore, #tpu.memory_space<semaphore_mem>>) src(%dma_wait3A_46 : memref<2000xi32, #tpu.memory_space<hbm>>) dst(%arg6 : memref<2000xi32, #tpu.memory_space<vmem>>)
        tpu.yield
      }) : () -> ()
      %scan3A_31 = arith.constant 0 : i32
      %scan3A_32 = arith.constant 125 : i32
      %scan3A_33 = arith.addi %scan3A_31, %scan3A_32 : i32
      %scan3A_34 = arith.constant 1 : i32
      scf.for %scan3A_36 = %scan3A_31 to %scan3A_33 step %scan3A_34  : i32 {
        %mul3A_37 = arith.constant 1 : i32
        %mul3A_38 = arith.muli %scan3A_36, %mul3A_37 : i32
        %add3A_39 = arith.constant 0 : i32
        %add3A_40 = arith.addi %add3A_39, %mul3A_38 : i32
        %mul3A_41 = arith.constant 16 : i32
        %mul3A_42 = arith.muli %add3A_40, %mul3A_41 : i32
        %get3A_43 = arith.index_cast %mul3A_42 : i32 to index
        %get3A_44 = tpu.vector_load %arg6[%get3A_43] {strides = array<i32>} : memref<2000xi32, #tpu.memory_space<vmem>>, vector<16xi32>,
        %and3A = arith.constant 16383 : i32
        %and3A_45 = vector.broadcast %and3A : i32 to vector<16xi32>
        %and3A_46 = arith.andi %get3A_44, %and3A_45 : vector<16xi32>
        %add3A_47 = arith.addi %get3A_6, %and3A_46 : vector<16xi32>
        tpu.vector_store_idx %arg7[%add3A_47], %broadcast_in_dim3A_14 masked %lt3A_10 {add = true} : memref<80000xf32, #tpu.memory_space<vmem>>[vector<16xi32>], vector<16xf32>, vector<16xi1>
        tpu.vector_store_idx %arg7[%add3A_47], %broadcast_in_dim3A_14 masked %ge3A_12 {add = true} : memref<80000xf32, #tpu.memory_space<vmem>>[vector<16xi32>], vector<16xf32>, vector<16xi1>
      }
      %scan3A_35 = arith.constant 125 : i32
    }
    %scan3A_19 = arith.constant 5 : i32
    %scan3A_20 = arith.constant 0 : i32
    %scan3A_21 = arith.constant 625 : i32
    %scan3A_22 = arith.addi %scan3A_20, %scan3A_21 : i32
    %scan3A_23 = arith.constant 1 : i32
    scf.for %scan3A_25 = %scan3A_20 to %scan3A_22 step %scan3A_23  : i32 {
      %mul3A_26 = arith.constant 1 : i32
      %mul3A_27 = arith.muli %scan3A_25, %mul3A_26 : i32
      %add3A_28 = arith.constant 0 : i32
      %add3A_29 = arith.addi %add3A_28, %mul3A_27 : i32
      %mul3A_30 = arith.constant 16 : i32
      %mul3A_31 = arith.muli %add3A_29, %mul3A_30 : i32
      %get3A_32 = arith.index_cast %mul3A_31 : i32 to index
      %get3A_33 = tpu.vector_load %arg7[%get3A_32] {strides = array<i32>} : memref<80000xf32, #tpu.memory_space<vmem>>, vector<16xf32>,
      %mul3A_34 = arith.constant 16 : i32
      %mul3A_35 = arith.muli %add3A_29, %mul3A_34 : i32
      %add3A_36 = arith.constant 10000 : i32
      %add3A_37 = arith.addi %add3A_36, %mul3A_35 : i32
      %get3A_38 = arith.index_cast %add3A_37 : i32 to index
      %get3A_39 = tpu.vector_load %arg7[%get3A_38] {strides = array<i32>} : memref<80000xf32, #tpu.memory_space<vmem>>, vector<16xf32>,
      %add3A_40 = arith.addf %get3A_33, %get3A_39 : vector<16xf32>
      %mul3A_41 = arith.constant 16 : i32
      %mul3A_42 = arith.muli %add3A_29, %mul3A_41 : i32
      %add3A_43 = arith.constant 20000 : i32
      %add3A_44 = arith.addi %add3A_43, %mul3A_42 : i32
      %get3A_45 = arith.index_cast %add3A_44 : i32 to index
      %get3A_46 = tpu.vector_load %arg7[%get3A_45] {strides = array<i32>} : memref<80000xf32, #tpu.memory_space<vmem>>, vector<16xf32>,
      %add3A_47 = arith.addf %add3A_40, %get3A_46 : vector<16xf32>
      %mul3A_48 = arith.constant 16 : i32
      %mul3A_49 = arith.muli %add3A_29, %mul3A_48 : i32
      %add3A_50 = arith.constant 30000 : i32
      %add3A_51 = arith.addi %add3A_50, %mul3A_49 : i32
      %get3A_52 = arith.index_cast %add3A_51 : i32 to index
      %get3A_53 = tpu.vector_load %arg7[%get3A_52] {strides = array<i32>} : memref<80000xf32, #tpu.memory_space<vmem>>, vector<16xf32>,
      %add3A_54 = arith.addf %add3A_47, %get3A_53 : vector<16xf32>
      %mul3A_55 = arith.constant 16 : i32
      %mul3A_56 = arith.muli %add3A_29, %mul3A_55 : i32
      %add3A_57 = arith.constant 40000 : i32
      %add3A_58 = arith.addi %add3A_57, %mul3A_56 : i32
      %get3A_59 = arith.index_cast %add3A_58 : i32 to index
      %get3A_60 = tpu.vector_load %arg7[%get3A_59] {strides = array<i32>} : memref<80000xf32, #tpu.memory_space<vmem>>, vector<16xf32>,
      %add3A_61 = arith.addf %add3A_54, %get3A_60 : vector<16xf32>
      %mul3A_62 = arith.constant 16 : i32
      %mul3A_63 = arith.muli %add3A_29, %mul3A_62 : i32
      %add3A_64 = arith.constant 50000 : i32
      %add3A_65 = arith.addi %add3A_64, %mul3A_63 : i32
      %get3A_66 = arith.index_cast %add3A_65 : i32 to index
      %get3A_67 = tpu.vector_load %arg7[%get3A_66] {strides = array<i32>} : memref<80000xf32, #tpu.memory_space<vmem>>, vector<16xf32>,
      %add3A_68 = arith.addf %add3A_61, %get3A_67 : vector<16xf32>
      %mul3A_69 = arith.constant 16 : i32
      %mul3A_70 = arith.muli %add3A_29, %mul3A_69 : i32
      %add3A_71 = arith.constant 60000 : i32
      %add3A_72 = arith.addi %add3A_71, %mul3A_70 : i32
      %get3A_73 = arith.index_cast %add3A_72 : i32 to index
      %get3A_74 = tpu.vector_load %arg7[%get3A_73] {strides = array<i32>} : memref<80000xf32, #tpu.memory_space<vmem>>, vector<16xf32>,
      %add3A_75 = arith.addf %add3A_68, %get3A_74 : vector<16xf32>
      %mul3A_76 = arith.constant 16 : i32
      %mul3A_77 = arith.muli %add3A_29, %mul3A_76 : i32
      %add3A_78 = arith.constant 70000 : i32
      %add3A_79 = arith.addi %add3A_78, %mul3A_77 : i32
      %get3A_80 = arith.index_cast %add3A_79 : i32 to index
      %get3A_81 = tpu.vector_load %arg7[%get3A_80] {strides = array<i32>} : memref<80000xf32, #tpu.memory_space<vmem>>, vector<16xf32>,
      %add3A_82 = arith.addf %add3A_75, %get3A_81 : vector<16xf32>
      %mul3A_83 = arith.constant 16 : i32
      %mul3A_84 = arith.muli %add3A_29, %mul3A_83 : i32
      %swap3A = arith.index_cast %mul3A_84 : i32 to index
      %swap3A_85 = tpu.vector_load %arg8[%swap3A] {strides = array<i32>} : memref<10000xf32, #tpu.memory_space<vmem>>, vector<16xf32>,
      tpu.vector_store %arg8[%swap3A], %add3A_82 {strides = array<i32>} : memref<10000xf32, #tpu.memory_space<vmem>>, vector<16xf32>,
    }
    %scan3A_24 = arith.constant 625 : i32
    %run_scoped3A = arith.constant 0 : i32
    "tpu.region"() ({
      %run_scoped3A_25 = tpu.sem_alloc : memref<!tpu.dma_semaphore, #tpu.memory_space<semaphore_mem>>
      %dma_start3A = arith.constant 0 : i32
      %dma_start3A_26 = tpu.memref_slice %arg5[%add3A, %run_scoped3A, %dma_start3A] : memref<32x1x10000xf32, #tpu.memory_space<hbm>> -> memref<1x1x10000xf32, #tpu.memory_space<hbm>>
      %dma_start3A_27 = tpu.memref_squeeze %dma_start3A_26 : memref<1x1x10000xf32, #tpu.memory_space<hbm>> -> memref<10000xf32, #tpu.memory_space<hbm>>
      %dma_start3A_28 = arith.constant 0 : i32
      %dma_start3A_29 = tpu.memref_slice %arg5[%add3A, %run_scoped3A, %dma_start3A_28] : memref<32x1x10000xf32, #tpu.memory_space<hbm>> -> memref<1x1x10000xf32, #tpu.memory_space<hbm>>
      %dma_start3A_30 = tpu.memref_squeeze %dma_start3A_29 : memref<1x1x10000xf32, #tpu.memory_space<hbm>> -> memref<10000xf32, #tpu.memory_space<hbm>>
      tpu.enqueue_dma source(%arg8 : memref<10000xf32, #tpu.memory_space<vmem>>) target(%dma_start3A_30 : memref<10000xf32, #tpu.memory_space<hbm>>) target_semaphore(%run_scoped3A_25 : memref<!tpu.dma_semaphore, #tpu.memory_space<semaphore_mem>>)
      %dma_wait3A = arith.constant 0 : i32
      %dma_wait3A_31 = tpu.memref_slice %arg5[%add3A, %run_scoped3A, %dma_wait3A] : memref<32x1x10000xf32, #tpu.memory_space<hbm>> -> memref<1x1x10000xf32, #tpu.memory_space<hbm>>
      %dma_wait3A_32 = tpu.memref_squeeze %dma_wait3A_31 : memref<1x1x10000xf32, #tpu.memory_space<hbm>> -> memref<10000xf32, #tpu.memory_space<hbm>>
      %dma_wait3A_33 = arith.constant 0 : i32
      %dma_wait3A_34 = tpu.memref_slice %arg5[%add3A, %run_scoped3A, %dma_wait3A_33] : memref<32x1x10000xf32, #tpu.memory_space<hbm>> -> memref<1x1x10000xf32, #tpu.memory_space<hbm>>
      %dma_wait3A_35 = tpu.memref_squeeze %dma_wait3A_34 : memref<1x1x10000xf32, #tpu.memory_space<hbm>> -> memref<10000xf32, #tpu.memory_space<hbm>>
      tpu.wait_dma2 semaphore(%run_scoped3A_25 : memref<!tpu.dma_semaphore, #tpu.memory_space<semaphore_mem>>) src(%arg8 : memref<10000xf32, #tpu.memory_space<vmem>>) dst(%dma_wait3A_35 : memref<10000xf32, #tpu.memory_space<hbm>>)
      tpu.yield
    }) : () -> ()
    return
  }
}

#map = affine_map<(d0, d1) -> (0, 0)>
#map1 = affine_map<(d0, d1) -> (0, 0, 0, 0)>
#map2 = affine_map<(d0, d1) -> (0, 0, 0)>
module attributes {stable_mosaic.version = 14 : i64} {
  func.func @body(%arg0: i32, %arg1: i32, %arg2: memref<160000x128xf32, #tpu.memory_space<hbm>>, %arg3: memref<32x5x25x80xi32, #tpu.memory_space<hbm>>, %arg4: memref<2x10000x128xf32, #tpu.memory_space<hbm>>, %arg5: memref<25x80xi32, #tpu.memory_space<vmem>>, %arg6: memref<25x80xi32, #tpu.memory_space<vmem>>, %arg7: memref<25x80xi32, #tpu.memory_space<vmem>>, %arg8: memref<80x128xf32, #tpu.memory_space<vmem>>, %arg9: memref<80x128xf32, #tpu.memory_space<vmem>>, %arg10: memref<10000x128xf32, #tpu.memory_space<vmem_shared>>, %arg11: memref<!tpu.dma_semaphore, #tpu.memory_space<semaphore_mem>>, %arg12: memref<!tpu.dma_semaphore, #tpu.memory_space<semaphore_mem>>, %arg13: memref<!tpu.dma_semaphore, #tpu.memory_space<semaphore_mem>>, %arg14: memref<!tpu.dma_semaphore, #tpu.memory_space<semaphore_mem>>) attributes {dimension_semantics = [#tpu.dimension_semantics<core_parallel>, #tpu.dimension_semantics<subcore_parallel>], iteration_bounds = array<i64: 2, 16>, scalar_prefetch = 0 : i64, scratch_operands = 10 : i64, tpu.core_type = #tpu.core_type<sc_vector_subcore>, window_params = [{transform_indices = #map}, {transform_indices = #map1}, {transform_indices = #map2}]} {
    %mul3A = arith.constant 2 : i32
    %mul3A_0 = arith.muli %arg1, %mul3A : i32
    %add3A = arith.addi %mul3A_0, %arg0 : i32
    %scan3A = arith.constant 0 : i32
    %scan3A_1 = arith.constant 80 : i32
    %scan3A_2 = arith.addi %scan3A, %scan3A_1 : i32
    %scan3A_3 = arith.constant 1 : i32
    scf.for %scan3A_18 = %scan3A to %scan3A_2 step %scan3A_3  : i32 {
      %mul3A_19 = arith.constant 1 : i32
      %mul3A_20 = arith.muli %scan3A_18, %mul3A_19 : i32
      %add3A_21 = arith.constant 0 : i32
      %add3A_22 = arith.addi %add3A_21, %mul3A_20 : i32
      %scan3A_23 = arith.constant 0 : i32
      %scan3A_24 = arith.constant 8 : i32
      %scan3A_25 = arith.addi %scan3A_23, %scan3A_24 : i32
      %scan3A_26 = arith.constant 1 : i32
      scf.for %scan3A_28 = %scan3A_23 to %scan3A_25 step %scan3A_26  : i32 {
        %mul3A_29 = arith.constant 1 : i32
        %mul3A_30 = arith.muli %scan3A_28, %mul3A_29 : i32
        %add3A_31 = arith.constant 0 : i32
        %add3A_32 = arith.addi %add3A_31, %mul3A_30 : i32
        %broadcast_in_dim3A = arith.constant 0.000000e+00 : f32
        %broadcast_in_dim3A_33 = vector.broadcast %broadcast_in_dim3A : f32 to vector<16xf32>
        %mul3A_34 = arith.constant 16 : i32
        %mul3A_35 = arith.muli %add3A_32, %mul3A_34 : i32
        %swap3A = arith.index_cast %add3A_22 : i32 to index
        %swap3A_36 = arith.index_cast %mul3A_35 : i32 to index
        %swap3A_37 = tpu.vector_load %arg8[%swap3A, %swap3A_36] {strides = array<i32>} : memref<80x128xf32, #tpu.memory_space<vmem>>, vector<1x16xf32>,
        %swap3A_38 = vector.shape_cast %swap3A_37 : vector<1x16xf32> to vector<16xf32>
        %swap3A_39 = vector.shape_cast %broadcast_in_dim3A_33 : vector<16xf32> to vector<1x16xf32>
        tpu.vector_store %arg8[%swap3A, %swap3A_36], %swap3A_39 {strides = array<i32>} : memref<80x128xf32, #tpu.memory_space<vmem>>, vector<1x16xf32>,
      }
      %scan3A_27 = arith.constant 8 : i32
    }
    %scan3A_4 = arith.constant 80 : i32
    %scan3A_5 = arith.constant 0 : i32
    %scan3A_6 = arith.constant 8 : i32
    %scan3A_7 = arith.addi %scan3A_5, %scan3A_6 : i32
    %scan3A_8 = arith.constant 1 : i32
    scf.for %scan3A_18 = %scan3A_5 to %scan3A_7 step %scan3A_8  : i32 {
      %mul3A_19 = arith.constant 1 : i32
      %mul3A_20 = arith.muli %scan3A_18, %mul3A_19 : i32
      %add3A_21 = arith.constant 0 : i32
      %add3A_22 = arith.addi %add3A_21, %mul3A_20 : i32
      %mul3A_23 = arith.constant 16 : i32
      %mul3A_24 = arith.muli %add3A_22, %mul3A_23 : i32
      %add3A_25 = arith.addi %arg1, %mul3A_24 : i32
      %lt3A_26 = arith.constant 125 : i32
      %lt3A_27 = arith.cmpi slt, %add3A_25, %lt3A_26 : i32
      %convert_element_type3A_28 = arith.extui %lt3A_27 : i1 to i32
      %cond3A_29 = arith.constant 0 : i32
      %cond3A_30 = arith.cmpi ne, %convert_element_type3A_28, %cond3A_29 : i32
      scf.if %cond3A_30 {
        %mul3A_31 = arith.constant 80 : i32
        %mul3A_32 = arith.muli %add3A_25, %mul3A_31 : i32
        "tpu.region"() ({
          %run_scoped3A = tpu.sem_alloc : memref<!tpu.dma_semaphore, #tpu.memory_space<semaphore_mem>>
          %dma_start3A = arith.constant 0 : i32
          %dma_start3A_33 = arith.constant 0 : i32
          %dma_start3A_34 = tpu.memref_slice %arg8[%dma_start3A, %dma_start3A_33] : memref<80x128xf32, #tpu.memory_space<vmem>> -> memref<80x128xf32, #tpu.memory_space<vmem>>
          %dma_start3A_35 = arith.constant 0 : i32
          %dma_start3A_36 = tpu.memref_slice %arg10[%mul3A_32, %dma_start3A_35] : memref<10000x128xf32, #tpu.memory_space<vmem_shared>> -> memref<80x128xf32, #tpu.memory_space<vmem_shared>>
          %dma_start3A_37 = arith.constant 0 : i32
          %dma_start3A_38 = tpu.memref_slice %arg10[%mul3A_32, %dma_start3A_37] : memref<10000x128xf32, #tpu.memory_space<vmem_shared>> -> memref<80x128xf32, #tpu.memory_space<vmem_shared>>
          %dma_start3A_39 = arith.constant 0 : i32
          %dma_start3A_40 = arith.constant 0 : i32
          %dma_start3A_41 = tpu.memref_slice %arg8[%dma_start3A_39, %dma_start3A_40] : memref<80x128xf32, #tpu.memory_space<vmem>> -> memref<80x128xf32, #tpu.memory_space<vmem>>
          tpu.enqueue_dma source(%dma_start3A_41 : memref<80x128xf32, #tpu.memory_space<vmem>>) target(%dma_start3A_38 : memref<80x128xf32, #tpu.memory_space<vmem_shared>>) target_semaphore(%run_scoped3A : memref<!tpu.dma_semaphore, #tpu.memory_space<semaphore_mem>>)
          %dma_wait3A = arith.constant 0 : i32
          %dma_wait3A_42 = arith.constant 0 : i32
          %dma_wait3A_43 = tpu.memref_slice %arg8[%dma_wait3A, %dma_wait3A_42] : memref<80x128xf32, #tpu.memory_space<vmem>> -> memref<80x128xf32, #tpu.memory_space<vmem>>
          %dma_wait3A_44 = arith.constant 0 : i32
          %dma_wait3A_45 = tpu.memref_slice %arg10[%mul3A_32, %dma_wait3A_44] : memref<10000x128xf32, #tpu.memory_space<vmem_shared>> -> memref<80x128xf32, #tpu.memory_space<vmem_shared>>
          %dma_wait3A_46 = arith.constant 0 : i32
          %dma_wait3A_47 = tpu.memref_slice %arg10[%mul3A_32, %dma_wait3A_46] : memref<10000x128xf32, #tpu.memory_space<vmem_shared>> -> memref<80x128xf32, #tpu.memory_space<vmem_shared>>
          %dma_wait3A_48 = arith.constant 0 : i32
          %dma_wait3A_49 = arith.constant 0 : i32
          %dma_wait3A_50 = tpu.memref_slice %arg8[%dma_wait3A_48, %dma_wait3A_49] : memref<80x128xf32, #tpu.memory_space<vmem>> -> memref<80x128xf32, #tpu.memory_space<vmem>>
          tpu.wait_dma2 semaphore(%run_scoped3A : memref<!tpu.dma_semaphore, #tpu.memory_space<semaphore_mem>>) src(%dma_wait3A_50 : memref<80x128xf32, #tpu.memory_space<vmem>>) dst(%dma_wait3A_47 : memref<80x128xf32, #tpu.memory_space<vmem_shared>>)
          tpu.yield
        }) : () -> ()
      } else {
      }
    }
    %scan3A_9 = arith.constant 8 : i32
    %barrier3A = arith.constant 0 : index
    tpu.barrier barrier_id(%barrier3A)
    %scan3A_10 = arith.constant 0 : i32
    %scan3A_11 = arith.constant 5 : i32
    %scan3A_12 = arith.addi %scan3A_10, %scan3A_11 : i32
    %scan3A_13 = arith.constant 1 : i32
    scf.for %scan3A_18 = %scan3A_10 to %scan3A_12 step %scan3A_13  : i32 {
      %mul3A_19 = arith.constant 1 : i32
      %mul3A_20 = arith.muli %scan3A_18, %mul3A_19 : i32
      %add3A_21 = arith.constant 0 : i32
      %add3A_22 = arith.addi %add3A_21, %mul3A_20 : i32
      "tpu.region"() ({
        %run_scoped3A = tpu.sem_alloc : memref<!tpu.dma_semaphore, #tpu.memory_space<semaphore_mem>>
        %dma_start3A_57 = arith.constant 0 : i32
        %dma_start3A_58 = arith.constant 0 : i32
        %dma_start3A_59 = tpu.memref_slice %arg3[%add3A, %add3A_22, %dma_start3A_57, %dma_start3A_58] : memref<32x5x25x80xi32, #tpu.memory_space<hbm>> -> memref<1x1x25x80xi32, #tpu.memory_space<hbm>>
        %dma_start3A_60 = tpu.memref_squeeze %dma_start3A_59 : memref<1x1x25x80xi32, #tpu.memory_space<hbm>> -> memref<25x80xi32, #tpu.memory_space<hbm>>
        %dma_start3A_61 = arith.constant 0 : i32
        %dma_start3A_62 = arith.constant 0 : i32
        %dma_start3A_63 = tpu.memref_slice %arg3[%add3A, %add3A_22, %dma_start3A_61, %dma_start3A_62] : memref<32x5x25x80xi32, #tpu.memory_space<hbm>> -> memref<1x1x25x80xi32, #tpu.memory_space<hbm>>
        %dma_start3A_64 = tpu.memref_squeeze %dma_start3A_63 : memref<1x1x25x80xi32, #tpu.memory_space<hbm>> -> memref<25x80xi32, #tpu.memory_space<hbm>>
        tpu.enqueue_dma source(%dma_start3A_64 : memref<25x80xi32, #tpu.memory_space<hbm>>) target(%arg5 : memref<25x80xi32, #tpu.memory_space<vmem>>) target_semaphore(%run_scoped3A : memref<!tpu.dma_semaphore, #tpu.memory_space<semaphore_mem>>)
        %dma_wait3A_65 = arith.constant 0 : i32
        %dma_wait3A_66 = arith.constant 0 : i32
        %dma_wait3A_67 = tpu.memref_slice %arg3[%add3A, %add3A_22, %dma_wait3A_65, %dma_wait3A_66] : memref<32x5x25x80xi32, #tpu.memory_space<hbm>> -> memref<1x1x25x80xi32, #tpu.memory_space<hbm>>
        %dma_wait3A_68 = tpu.memref_squeeze %dma_wait3A_67 : memref<1x1x25x80xi32, #tpu.memory_space<hbm>> -> memref<25x80xi32, #tpu.memory_space<hbm>>
        %dma_wait3A_69 = arith.constant 0 : i32
        %dma_wait3A_70 = arith.constant 0 : i32
        %dma_wait3A_71 = tpu.memref_slice %arg3[%add3A, %add3A_22, %dma_wait3A_69, %dma_wait3A_70] : memref<32x5x25x80xi32, #tpu.memory_space<hbm>> -> memref<1x1x25x80xi32, #tpu.memory_space<hbm>>
        %dma_wait3A_72 = tpu.memref_squeeze %dma_wait3A_71 : memref<1x1x25x80xi32, #tpu.memory_space<hbm>> -> memref<25x80xi32, #tpu.memory_space<hbm>>
        tpu.wait_dma2 semaphore(%run_scoped3A : memref<!tpu.dma_semaphore, #tpu.memory_space<semaphore_mem>>) src(%dma_wait3A_72 : memref<25x80xi32, #tpu.memory_space<hbm>>) dst(%arg5 : memref<25x80xi32, #tpu.memory_space<vmem>>)
        tpu.yield
      }) : () -> ()
      %scan3A_23 = arith.constant 0 : i32
      %scan3A_24 = arith.constant 25 : i32
      %scan3A_25 = arith.addi %scan3A_23, %scan3A_24 : i32
      %scan3A_26 = arith.constant 1 : i32
      scf.for %scan3A_57 = %scan3A_23 to %scan3A_25 step %scan3A_26  : i32 {
        %mul3A_58 = arith.constant 1 : i32
        %mul3A_59 = arith.muli %scan3A_57, %mul3A_58 : i32
        %add3A_60 = arith.constant 0 : i32
        %add3A_61 = arith.addi %add3A_60, %mul3A_59 : i32
        %scan3A_62 = arith.constant 0 : i32
        %scan3A_63 = arith.constant 5 : i32
        %scan3A_64 = arith.addi %scan3A_62, %scan3A_63 : i32
        %scan3A_65 = arith.constant 1 : i32
        scf.for %scan3A_67 = %scan3A_62 to %scan3A_64 step %scan3A_65  : i32 {
          %mul3A_68 = arith.constant 1 : i32
          %mul3A_69 = arith.muli %scan3A_67, %mul3A_68 : i32
          %add3A_70 = arith.constant 0 : i32
          %add3A_71 = arith.addi %add3A_70, %mul3A_69 : i32
          %mul3A_72 = arith.constant 16 : i32
          %mul3A_73 = arith.muli %add3A_71, %mul3A_72 : i32
          %get3A = arith.index_cast %add3A_61 : i32 to index
          %get3A_74 = arith.index_cast %mul3A_73 : i32 to index
          %get3A_75 = tpu.vector_load %arg5[%get3A, %get3A_74] {strides = array<i32>} : memref<25x80xi32, #tpu.memory_space<vmem>>, vector<1x16xi32>,
          %get3A_76 = vector.shape_cast %get3A_75 : vector<1x16xi32> to vector<16xi32>
          %shift_right_logical3A = arith.constant 14 : i32
          %shift_right_logical3A_77 = vector.broadcast %shift_right_logical3A : i32 to vector<16xi32>
          %shift_right_logical3A_78 = arith.shrui %get3A_76, %shift_right_logical3A_77 : vector<16xi32>
          %swap3A = arith.index_cast %add3A_61 : i32 to index
          %swap3A_79 = arith.index_cast %mul3A_73 : i32 to index
          %swap3A_80 = tpu.vector_load %arg7[%swap3A, %swap3A_79] {strides = array<i32>} : memref<25x80xi32, #tpu.memory_space<vmem>>, vector<1x16xi32>,
          %swap3A_81 = vector.shape_cast %swap3A_80 : vector<1x16xi32> to vector<16xi32>
          %swap3A_82 = vector.shape_cast %shift_right_logical3A_78 : vector<16xi32> to vector<1x16xi32>
          tpu.vector_store %arg7[%swap3A, %swap3A_79], %swap3A_82 {strides = array<i32>} : memref<25x80xi32, #tpu.memory_space<vmem>>, vector<1x16xi32>,
          %and3A = arith.constant 16383 : i32
          %and3A_83 = vector.broadcast %and3A : i32 to vector<16xi32>
          %and3A_84 = arith.andi %get3A_76, %and3A_83 : vector<16xi32>
          %swap3A_85 = arith.index_cast %add3A_61 : i32 to index
          %swap3A_86 = arith.index_cast %mul3A_73 : i32 to index
          %swap3A_87 = tpu.vector_load %arg6[%swap3A_85, %swap3A_86] {strides = array<i32>} : memref<25x80xi32, #tpu.memory_space<vmem>>, vector<1x16xi32>,
          %swap3A_88 = vector.shape_cast %swap3A_87 : vector<1x16xi32> to vector<16xi32>
          %swap3A_89 = vector.shape_cast %and3A_84 : vector<16xi32> to vector<1x16xi32>
          tpu.vector_store %arg6[%swap3A_85, %swap3A_86], %swap3A_89 {strides = array<i32>} : memref<25x80xi32, #tpu.memory_space<vmem>>, vector<1x16xi32>,
        }
        %scan3A_66 = arith.constant 5 : i32
      }
      %scan3A_27 = arith.constant 25 : i32
      %dma_start3A = arith.constant 0 : i32
      %dma_start3A_28 = arith.constant 0 : i32
      %dma_start3A_29 = tpu.memref_slice %arg7[%dma_start3A, %dma_start3A_28] : memref<25x80xi32, #tpu.memory_space<vmem>> -> memref<1x80xi32, #tpu.memory_space<vmem>>
      %dma_start3A_30 = tpu.memref_squeeze %dma_start3A_29 : memref<1x80xi32, #tpu.memory_space<vmem>> -> memref<80xi32, #tpu.memory_space<vmem>>
      %dma_start3A_31 = arith.constant 0 : i32
      %dma_start3A_32 = arith.constant 0 : i32
      %dma_start3A_33 = tpu.memref_slice %arg2[%dma_start3A_31, %dma_start3A_32] : memref<160000x128xf32, #tpu.memory_space<hbm>> -> memref<160000x128xf32, #tpu.memory_space<hbm>>
      tpu.enqueue_indirect_dma source(%dma_start3A_33 : memref<160000x128xf32, #tpu.memory_space<hbm>>) target(%arg8 : memref<80x128xf32, #tpu.memory_space<vmem>>) offsets(%dma_start3A_30 : memref<80xi32, #tpu.memory_space<vmem>>) semaphore(%arg11 : memref<!tpu.dma_semaphore, #tpu.memory_space<semaphore_mem>>)
      %scan3A_34 = arith.constant 0 : i32
      %scan3A_35 = arith.constant 12 : i32
      %scan3A_36 = arith.addi %scan3A_34, %scan3A_35 : i32
      %scan3A_37 = arith.constant 1 : i32
      scf.for %scan3A_57 = %scan3A_34 to %scan3A_36 step %scan3A_37  : i32 {
        %mul3A_58 = arith.constant 1 : i32
        %mul3A_59 = arith.muli %scan3A_57, %mul3A_58 : i32
        %add3A_60 = arith.constant 0 : i32
        %add3A_61 = arith.addi %add3A_60, %mul3A_59 : i32
        %mul3A_62 = arith.constant 2 : i32
        %mul3A_63 = arith.muli %mul3A_62, %add3A_61 : i32
        %dma_wait3A_64 = arith.constant 0 : i32
        %dma_wait3A_65 = arith.constant 0 : i32
        %dma_wait3A_66 = tpu.memref_slice %arg2[%dma_wait3A_64, %dma_wait3A_65] : memref<160000x128xf32, #tpu.memory_space<hbm>> -> memref<80x128xf32, #tpu.memory_space<hbm>>
        %dma_wait3A_67 = arith.constant 0 : i32
        %dma_wait3A_68 = arith.constant 0 : i32
        %dma_wait3A_69 = tpu.memref_slice %arg2[%dma_wait3A_67, %dma_wait3A_68] : memref<160000x128xf32, #tpu.memory_space<hbm>> -> memref<80x128xf32, #tpu.memory_space<hbm>>
        tpu.wait_dma2 semaphore(%arg11 : memref<!tpu.dma_semaphore, #tpu.memory_space<semaphore_mem>>) src(%dma_wait3A_69 : memref<80x128xf32, #tpu.memory_space<hbm>>) dst(%arg8 : memref<80x128xf32, #tpu.memory_space<vmem>>)
        %add3A_70 = arith.constant 1 : i32
        %add3A_71 = arith.addi %mul3A_63, %add3A_70 : i32
        %dma_start3A_72 = arith.constant 0 : i32
        %dma_start3A_73 = tpu.memref_slice %arg7[%add3A_71, %dma_start3A_72] : memref<25x80xi32, #tpu.memory_space<vmem>> -> memref<1x80xi32, #tpu.memory_space<vmem>>
        %dma_start3A_74 = tpu.memref_squeeze %dma_start3A_73 : memref<1x80xi32, #tpu.memory_space<vmem>> -> memref<80xi32, #tpu.memory_space<vmem>>
        %dma_start3A_75 = arith.constant 0 : i32
        %dma_start3A_76 = arith.constant 0 : i32
        %dma_start3A_77 = tpu.memref_slice %arg2[%dma_start3A_75, %dma_start3A_76] : memref<160000x128xf32, #tpu.memory_space<hbm>> -> memref<160000x128xf32, #tpu.memory_space<hbm>>
        tpu.enqueue_indirect_dma source(%dma_start3A_77 : memref<160000x128xf32, #tpu.memory_space<hbm>>) target(%arg9 : memref<80x128xf32, #tpu.memory_space<vmem>>) offsets(%dma_start3A_74 : memref<80xi32, #tpu.memory_space<vmem>>) semaphore(%arg12 : memref<!tpu.dma_semaphore, #tpu.memory_space<semaphore_mem>>)
        %dma_start3A_78 = arith.constant 0 : i32
        %dma_start3A_79 = tpu.memref_slice %arg6[%mul3A_63, %dma_start3A_78] : memref<25x80xi32, #tpu.memory_space<vmem>> -> memref<1x80xi32, #tpu.memory_space<vmem>>
        %dma_start3A_80 = tpu.memref_squeeze %dma_start3A_79 : memref<1x80xi32, #tpu.memory_space<vmem>> -> memref<80xi32, #tpu.memory_space<vmem>>
        %dma_start3A_81 = arith.constant 0 : i32
        %dma_start3A_82 = arith.constant 0 : i32
        %dma_start3A_83 = tpu.memref_slice %arg10[%dma_start3A_81, %dma_start3A_82] : memref<10000x128xf32, #tpu.memory_space<vmem_shared>> -> memref<10000x128xf32, #tpu.memory_space<vmem_shared>>
        tpu.enqueue_indirect_dma source(%arg8 : memref<80x128xf32, #tpu.memory_space<vmem>>) target(%dma_start3A_83 : memref<10000x128xf32, #tpu.memory_space<vmem_shared>>) offsets(%dma_start3A_80 : memref<80xi32, #tpu.memory_space<vmem>>) semaphore(%arg13 : memref<!tpu.dma_semaphore, #tpu.memory_space<semaphore_mem>>) {add = true}
        %dma_wait3A_84 = arith.constant 0 : i32
        %dma_wait3A_85 = arith.constant 0 : i32
        %dma_wait3A_86 = tpu.memref_slice %arg2[%dma_wait3A_84, %dma_wait3A_85] : memref<160000x128xf32, #tpu.memory_space<hbm>> -> memref<80x128xf32, #tpu.memory_space<hbm>>
        %dma_wait3A_87 = arith.constant 0 : i32
        %dma_wait3A_88 = arith.constant 0 : i32
        %dma_wait3A_89 = tpu.memref_slice %arg2[%dma_wait3A_87, %dma_wait3A_88] : memref<160000x128xf32, #tpu.memory_space<hbm>> -> memref<80x128xf32, #tpu.memory_space<hbm>>
        tpu.wait_dma2 semaphore(%arg12 : memref<!tpu.dma_semaphore, #tpu.memory_space<semaphore_mem>>) src(%dma_wait3A_89 : memref<80x128xf32, #tpu.memory_space<hbm>>) dst(%arg9 : memref<80x128xf32, #tpu.memory_space<vmem>>)
        %dma_wait3A_90 = arith.constant 0 : i32
        %dma_wait3A_91 = arith.constant 0 : i32
        %dma_wait3A_92 = tpu.memref_slice %arg10[%dma_wait3A_90, %dma_wait3A_91] : memref<10000x128xf32, #tpu.memory_space<vmem_shared>> -> memref<80x128xf32, #tpu.memory_space<vmem_shared>>
        %dma_wait3A_93 = arith.constant 0 : i32
        %dma_wait3A_94 = arith.constant 0 : i32
        %dma_wait3A_95 = tpu.memref_slice %arg10[%dma_wait3A_93, %dma_wait3A_94] : memref<10000x128xf32, #tpu.memory_space<vmem_shared>> -> memref<80x128xf32, #tpu.memory_space<vmem_shared>>
        tpu.wait_dma2 semaphore(%arg13 : memref<!tpu.dma_semaphore, #tpu.memory_space<semaphore_mem>>) src(%arg8 : memref<80x128xf32, #tpu.memory_space<vmem>>) dst(%dma_wait3A_95 : memref<80x128xf32, #tpu.memory_space<vmem_shared>>)
        %add3A_96 = arith.constant 2 : i32
        %add3A_97 = arith.addi %mul3A_63, %add3A_96 : i32
        %dma_start3A_98 = arith.constant 0 : i32
        %dma_start3A_99 = tpu.memref_slice %arg7[%add3A_97, %dma_start3A_98] : memref<25x80xi32, #tpu.memory_space<vmem>> -> memref<1x80xi32, #tpu.memory_space<vmem>>
        %dma_start3A_100 = tpu.memref_squeeze %dma_start3A_99 : memref<1x80xi32, #tpu.memory_space<vmem>> -> memref<80xi32, #tpu.memory_space<vmem>>
        %dma_start3A_101 = arith.constant 0 : i32
        %dma_start3A_102 = arith.constant 0 : i32
        %dma_start3A_103 = tpu.memref_slice %arg2[%dma_start3A_101, %dma_start3A_102] : memref<160000x128xf32, #tpu.memory_space<hbm>> -> memref<160000x128xf32, #tpu.memory_space<hbm>>
        tpu.enqueue_indirect_dma source(%dma_start3A_103 : memref<160000x128xf32, #tpu.memory_space<hbm>>) target(%arg8 : memref<80x128xf32, #tpu.memory_space<vmem>>) offsets(%dma_start3A_100 : memref<80xi32, #tpu.memory_space<vmem>>) semaphore(%arg11 : memref<!tpu.dma_semaphore, #tpu.memory_space<semaphore_mem>>)
        %add3A_104 = arith.constant 1 : i32
        %add3A_105 = arith.addi %mul3A_63, %add3A_104 : i32
        %dma_start3A_106 = arith.constant 0 : i32
        %dma_start3A_107 = tpu.memref_slice %arg6[%add3A_105, %dma_start3A_106] : memref<25x80xi32, #tpu.memory_space<vmem>> -> memref<1x80xi32, #tpu.memory_space<vmem>>
        %dma_start3A_108 = tpu.memref_squeeze %dma_start3A_107 : memref<1x80xi32, #tpu.memory_space<vmem>> -> memref<80xi32, #tpu.memory_space<vmem>>
        %dma_start3A_109 = arith.constant 0 : i32
        %dma_start3A_110 = arith.constant 0 : i32
        %dma_start3A_111 = tpu.memref_slice %arg10[%dma_start3A_109, %dma_start3A_110] : memref<10000x128xf32, #tpu.memory_space<vmem_shared>> -> memref<10000x128xf32, #tpu.memory_space<vmem_shared>>
        tpu.enqueue_indirect_dma source(%arg9 : memref<80x128xf32, #tpu.memory_space<vmem>>) target(%dma_start3A_111 : memref<10000x128xf32, #tpu.memory_space<vmem_shared>>) offsets(%dma_start3A_108 : memref<80xi32, #tpu.memory_space<vmem>>) semaphore(%arg14 : memref<!tpu.dma_semaphore, #tpu.memory_space<semaphore_mem>>) {add = true}
        %dma_wait3A_112 = arith.constant 0 : i32
        %dma_wait3A_113 = arith.constant 0 : i32
        %dma_wait3A_114 = tpu.memref_slice %arg10[%dma_wait3A_112, %dma_wait3A_113] : memref<10000x128xf32, #tpu.memory_space<vmem_shared>> -> memref<80x128xf32, #tpu.memory_space<vmem_shared>>
        %dma_wait3A_115 = arith.constant 0 : i32
        %dma_wait3A_116 = arith.constant 0 : i32
        %dma_wait3A_117 = tpu.memref_slice %arg10[%dma_wait3A_115, %dma_wait3A_116] : memref<10000x128xf32, #tpu.memory_space<vmem_shared>> -> memref<80x128xf32, #tpu.memory_space<vmem_shared>>
        tpu.wait_dma2 semaphore(%arg14 : memref<!tpu.dma_semaphore, #tpu.memory_space<semaphore_mem>>) src(%arg9 : memref<80x128xf32, #tpu.memory_space<vmem>>) dst(%dma_wait3A_117 : memref<80x128xf32, #tpu.memory_space<vmem_shared>>)
      }
      %scan3A_38 = arith.constant 12 : i32
      %dma_wait3A = arith.constant 0 : i32
      %dma_wait3A_39 = arith.constant 0 : i32
      %dma_wait3A_40 = tpu.memref_slice %arg2[%dma_wait3A, %dma_wait3A_39] : memref<160000x128xf32, #tpu.memory_space<hbm>> -> memref<80x128xf32, #tpu.memory_space<hbm>>
      %dma_wait3A_41 = arith.constant 0 : i32
      %dma_wait3A_42 = arith.constant 0 : i32
      %dma_wait3A_43 = tpu.memref_slice %arg2[%dma_wait3A_41, %dma_wait3A_42] : memref<160000x128xf32, #tpu.memory_space<hbm>> -> memref<80x128xf32, #tpu.memory_space<hbm>>
      tpu.wait_dma2 semaphore(%arg11 : memref<!tpu.dma_semaphore, #tpu.memory_space<semaphore_mem>>) src(%dma_wait3A_43 : memref<80x128xf32, #tpu.memory_space<hbm>>) dst(%arg8 : memref<80x128xf32, #tpu.memory_space<vmem>>)
      %dma_start3A_44 = arith.constant 24 : i32
      %dma_start3A_45 = arith.constant 0 : i32
      %dma_start3A_46 = tpu.memref_slice %arg6[%dma_start3A_44, %dma_start3A_45] : memref<25x80xi32, #tpu.memory_space<vmem>> -> memref<1x80xi32, #tpu.memory_space<vmem>>
      %dma_start3A_47 = tpu.memref_squeeze %dma_start3A_46 : memref<1x80xi32, #tpu.memory_space<vmem>> -> memref<80xi32, #tpu.memory_space<vmem>>
      %dma_start3A_48 = arith.constant 0 : i32
      %dma_start3A_49 = arith.constant 0 : i32
      %dma_start3A_50 = tpu.memref_slice %arg10[%dma_start3A_48, %dma_start3A_49] : memref<10000x128xf32, #tpu.memory_space<vmem_shared>> -> memref<10000x128xf32, #tpu.memory_space<vmem_shared>>
      tpu.enqueue_indirect_dma source(%arg8 : memref<80x128xf32, #tpu.memory_space<vmem>>) target(%dma_start3A_50 : memref<10000x128xf32, #tpu.memory_space<vmem_shared>>) offsets(%dma_start3A_47 : memref<80xi32, #tpu.memory_space<vmem>>) semaphore(%arg13 : memref<!tpu.dma_semaphore, #tpu.memory_space<semaphore_mem>>) {add = true}
      %dma_wait3A_51 = arith.constant 0 : i32
      %dma_wait3A_52 = arith.constant 0 : i32
      %dma_wait3A_53 = tpu.memref_slice %arg10[%dma_wait3A_51, %dma_wait3A_52] : memref<10000x128xf32, #tpu.memory_space<vmem_shared>> -> memref<80x128xf32, #tpu.memory_space<vmem_shared>>
      %dma_wait3A_54 = arith.constant 0 : i32
      %dma_wait3A_55 = arith.constant 0 : i32
      %dma_wait3A_56 = tpu.memref_slice %arg10[%dma_wait3A_54, %dma_wait3A_55] : memref<10000x128xf32, #tpu.memory_space<vmem_shared>> -> memref<80x128xf32, #tpu.memory_space<vmem_shared>>
      tpu.wait_dma2 semaphore(%arg13 : memref<!tpu.dma_semaphore, #tpu.memory_space<semaphore_mem>>) src(%arg8 : memref<80x128xf32, #tpu.memory_space<vmem>>) dst(%dma_wait3A_56 : memref<80x128xf32, #tpu.memory_space<vmem_shared>>)
    }
    %scan3A_14 = arith.constant 5 : i32
    %barrier3A_15 = arith.constant 0 : index
    tpu.barrier barrier_id(%barrier3A_15)
    %lt3A = arith.constant 10 : i32
    %lt3A_16 = arith.cmpi slt, %arg1, %lt3A : i32
    %convert_element_type3A = arith.extui %lt3A_16 : i1 to i32
    %cond3A = arith.constant 0 : i32
    %cond3A_17 = arith.cmpi ne, %convert_element_type3A, %cond3A : i32
    scf.if %cond3A_17 {
      %mul3A_18 = arith.constant 1000 : i32
      %mul3A_19 = arith.muli %arg1, %mul3A_18 : i32
      "tpu.region"() ({
        %run_scoped3A = tpu.sem_alloc : memref<!tpu.dma_semaphore, #tpu.memory_space<semaphore_mem>>
        %dma_start3A = arith.constant 0 : i32
        %dma_start3A_20 = tpu.memref_slice %arg4[%arg0, %mul3A_19, %dma_start3A] : memref<2x10000x128xf32, #tpu.memory_space<hbm>> -> memref<1x1000x128xf32, #tpu.memory_space<hbm>>
        %dma_start3A_21 = tpu.memref_squeeze %dma_start3A_20 : memref<1x1000x128xf32, #tpu.memory_space<hbm>> -> memref<1000x128xf32, #tpu.memory_space<hbm>>
        %dma_start3A_22 = arith.constant 0 : i32
        %dma_start3A_23 = tpu.memref_slice %arg10[%mul3A_19, %dma_start3A_22] : memref<10000x128xf32, #tpu.memory_space<vmem_shared>> -> memref<1000x128xf32, #tpu.memory_space<vmem_shared>>
        tpu.enqueue_dma source(%dma_start3A_23 : memref<1000x128xf32, #tpu.memory_space<vmem_shared>>) target(%dma_start3A_21 : memref<1000x128xf32, #tpu.memory_space<hbm>>) target_semaphore(%run_scoped3A : memref<!tpu.dma_semaphore, #tpu.memory_space<semaphore_mem>>)
        %dma_wait3A = arith.constant 0 : i32
        %dma_wait3A_24 = tpu.memref_slice %arg4[%arg0, %mul3A_19, %dma_wait3A] : memref<2x10000x128xf32, #tpu.memory_space<hbm>> -> memref<1x1000x128xf32, #tpu.memory_space<hbm>>
        %dma_wait3A_25 = tpu.memref_squeeze %dma_wait3A_24 : memref<1x1000x128xf32, #tpu.memory_space<hbm>> -> memref<1000x128xf32, #tpu.memory_space<hbm>>
        %dma_wait3A_26 = arith.constant 0 : i32
        %dma_wait3A_27 = tpu.memref_slice %arg10[%mul3A_19, %dma_wait3A_26] : memref<10000x128xf32, #tpu.memory_space<vmem_shared>> -> memref<1000x128xf32, #tpu.memory_space<vmem_shared>>
        tpu.wait_dma2 semaphore(%run_scoped3A : memref<!tpu.dma_semaphore, #tpu.memory_space<semaphore_mem>>) src(%dma_wait3A_27 : memref<1000x128xf32, #tpu.memory_space<vmem_shared>>) dst(%dma_wait3A_25 : memref<1000x128xf32, #tpu.memory_space<hbm>>)
        tpu.yield
      }) : () -> ()
    } else {
    }
    return
  }
}

module attributes {stable_mosaic.version = 14 : i64} {
  func.func @_hr_body(%arg0: i32, %arg1: memref<1000x128xbf16, #tpu.memory_space<vmem>>, %arg2: memref<16x128x128xbf16, #tpu.memory_space<vmem>>, %arg3: memref<16x1000x128xf32, #tpu.memory_space<vmem>>) attributes {dimension_semantics = [#tpu.dimension_semantics<arbitrary>], iteration_bounds = array<i64: 10>, scalar_prefetch = 0 : i64, scratch_operands = 0 : i64, tpu.core_type = #tpu.core_type<tc>, window_params = [{transform_indices = @transform_0, window_bounds = array<i64: 1000, 128>}, {pipeline_mode = #tpu.pipeline_mode<synchronous>, transform_indices = @transform_1, window_bounds = array<i64: 16, 128, 128>}, {transform_indices = @transform_2, window_bounds = array<i64: 16, 1000, 128>}]} {
    %get3A = arith.constant 0 : index
    %get3A_0 = arith.constant 0 : index
    %get3A_1 = vector.load %arg1[%get3A, %get3A_0] : memref<1000x128xbf16, #tpu.memory_space<vmem>>, vector<1000x128xbf16>
    %get3A_2 = arith.constant 0 : index
    %get3A_3 = arith.constant 0 : index
    %get3A_4 = arith.constant 0 : index
    %get3A_5 = vector.load %arg2[%get3A_2, %get3A_3, %get3A_4] : memref<16x128x128xbf16, #tpu.memory_space<vmem>>, vector<1x128x128xbf16>
    %get3A_6 = vector.shape_cast %get3A_5 : vector<1x128x128xbf16> to vector<128x128xbf16>
    %dot_general3A = arith.constant dense<0.000000e+00> : vector<1000x128xf32>
    %dot_general3A_7 = tpu.matmul %get3A_1, %get3A_6, %dot_general3A {dimension_numbers = #tpu.dot_dimension_numbers<[1], [0], [0], [1], [0, 0, 1, 1], [], []>, transpose_lhs_hint = false} : vector<1000x128xbf16>, vector<128x128xbf16>, vector<1000x128xf32> -> vector<1000x128xf32>
    %swap3A = arith.constant 0 : index
    %swap3A_8 = arith.constant 0 : index
    %swap3A_9 = arith.constant 0 : index
    %swap3A_10 = vector.load %arg3[%swap3A, %swap3A_8, %swap3A_9] : memref<16x1000x128xf32, #tpu.memory_space<vmem>>, vector<1x1000x128xf32>
    %swap3A_11 = vector.shape_cast %swap3A_10 : vector<1x1000x128xf32> to vector<1000x128xf32>
    %swap3A_12 = vector.shape_cast %dot_general3A_7 : vector<1000x128xf32> to vector<1x1000x128xf32>
    tpu.vector_store %arg3[%swap3A, %swap3A_8, %swap3A_9], %swap3A_12 {strides = array<i32>} : memref<16x1000x128xf32, #tpu.memory_space<vmem>>, vector<1x1000x128xf32>,
    %get3A_13 = arith.constant 1 : index
    %get3A_14 = arith.constant 0 : index
    %get3A_15 = arith.constant 0 : index
    %get3A_16 = vector.load %arg2[%get3A_13, %get3A_14, %get3A_15] : memref<16x128x128xbf16, #tpu.memory_space<vmem>>, vector<1x128x128xbf16>
    %get3A_17 = vector.shape_cast %get3A_16 : vector<1x128x128xbf16> to vector<128x128xbf16>
    %dot_general3A_18 = arith.constant dense<0.000000e+00> : vector<1000x128xf32>
    %dot_general3A_19 = tpu.matmul %get3A_1, %get3A_17, %dot_general3A_18 {dimension_numbers = #tpu.dot_dimension_numbers<[1], [0], [0], [1], [0, 0, 1, 1], [], []>, transpose_lhs_hint = false} : vector<1000x128xbf16>, vector<128x128xbf16>, vector<1000x128xf32> -> vector<1000x128xf32>
    %swap3A_20 = arith.constant 1 : index
    %swap3A_21 = arith.constant 0 : index
    %swap3A_22 = arith.constant 0 : index
    %swap3A_23 = vector.load %arg3[%swap3A_20, %swap3A_21, %swap3A_22] : memref<16x1000x128xf32, #tpu.memory_space<vmem>>, vector<1x1000x128xf32>
    %swap3A_24 = vector.shape_cast %swap3A_23 : vector<1x1000x128xf32> to vector<1000x128xf32>
    %swap3A_25 = vector.shape_cast %dot_general3A_19 : vector<1000x128xf32> to vector<1x1000x128xf32>
    tpu.vector_store %arg3[%swap3A_20, %swap3A_21, %swap3A_22], %swap3A_25 {strides = array<i32>} : memref<16x1000x128xf32, #tpu.memory_space<vmem>>, vector<1x1000x128xf32>,
    %get3A_26 = arith.constant 2 : index
    %get3A_27 = arith.constant 0 : index
    %get3A_28 = arith.constant 0 : index
    %get3A_29 = vector.load %arg2[%get3A_26, %get3A_27, %get3A_28] : memref<16x128x128xbf16, #tpu.memory_space<vmem>>, vector<1x128x128xbf16>
    %get3A_30 = vector.shape_cast %get3A_29 : vector<1x128x128xbf16> to vector<128x128xbf16>
    %dot_general3A_31 = arith.constant dense<0.000000e+00> : vector<1000x128xf32>
    %dot_general3A_32 = tpu.matmul %get3A_1, %get3A_30, %dot_general3A_31 {dimension_numbers = #tpu.dot_dimension_numbers<[1], [0], [0], [1], [0, 0, 1, 1], [], []>, transpose_lhs_hint = false} : vector<1000x128xbf16>, vector<128x128xbf16>, vector<1000x128xf32> -> vector<1000x128xf32>
    %swap3A_33 = arith.constant 2 : index
    %swap3A_34 = arith.constant 0 : index
    %swap3A_35 = arith.constant 0 : index
    %swap3A_36 = vector.load %arg3[%swap3A_33, %swap3A_34, %swap3A_35] : memref<16x1000x128xf32, #tpu.memory_space<vmem>>, vector<1x1000x128xf32>
    %swap3A_37 = vector.shape_cast %swap3A_36 : vector<1x1000x128xf32> to vector<1000x128xf32>
    %swap3A_38 = vector.shape_cast %dot_general3A_32 : vector<1000x128xf32> to vector<1x1000x128xf32>
    tpu.vector_store %arg3[%swap3A_33, %swap3A_34, %swap3A_35], %swap3A_38 {strides = array<i32>} : memref<16x1000x128xf32, #tpu.memory_space<vmem>>, vector<1x1000x128xf32>,
    %get3A_39 = arith.constant 3 : index
    %get3A_40 = arith.constant 0 : index
    %get3A_41 = arith.constant 0 : index
    %get3A_42 = vector.load %arg2[%get3A_39, %get3A_40, %get3A_41] : memref<16x128x128xbf16, #tpu.memory_space<vmem>>, vector<1x128x128xbf16>
    %get3A_43 = vector.shape_cast %get3A_42 : vector<1x128x128xbf16> to vector<128x128xbf16>
    %dot_general3A_44 = arith.constant dense<0.000000e+00> : vector<1000x128xf32>
    %dot_general3A_45 = tpu.matmul %get3A_1, %get3A_43, %dot_general3A_44 {dimension_numbers = #tpu.dot_dimension_numbers<[1], [0], [0], [1], [0, 0, 1, 1], [], []>, transpose_lhs_hint = false} : vector<1000x128xbf16>, vector<128x128xbf16>, vector<1000x128xf32> -> vector<1000x128xf32>
    %swap3A_46 = arith.constant 3 : index
    %swap3A_47 = arith.constant 0 : index
    %swap3A_48 = arith.constant 0 : index
    %swap3A_49 = vector.load %arg3[%swap3A_46, %swap3A_47, %swap3A_48] : memref<16x1000x128xf32, #tpu.memory_space<vmem>>, vector<1x1000x128xf32>
    %swap3A_50 = vector.shape_cast %swap3A_49 : vector<1x1000x128xf32> to vector<1000x128xf32>
    %swap3A_51 = vector.shape_cast %dot_general3A_45 : vector<1000x128xf32> to vector<1x1000x128xf32>
    tpu.vector_store %arg3[%swap3A_46, %swap3A_47, %swap3A_48], %swap3A_51 {strides = array<i32>} : memref<16x1000x128xf32, #tpu.memory_space<vmem>>, vector<1x1000x128xf32>,
    %get3A_52 = arith.constant 4 : index
    %get3A_53 = arith.constant 0 : index
    %get3A_54 = arith.constant 0 : index
    %get3A_55 = vector.load %arg2[%get3A_52, %get3A_53, %get3A_54] : memref<16x128x128xbf16, #tpu.memory_space<vmem>>, vector<1x128x128xbf16>
    %get3A_56 = vector.shape_cast %get3A_55 : vector<1x128x128xbf16> to vector<128x128xbf16>
    %dot_general3A_57 = arith.constant dense<0.000000e+00> : vector<1000x128xf32>
    %dot_general3A_58 = tpu.matmul %get3A_1, %get3A_56, %dot_general3A_57 {dimension_numbers = #tpu.dot_dimension_numbers<[1], [0], [0], [1], [0, 0, 1, 1], [], []>, transpose_lhs_hint = false} : vector<1000x128xbf16>, vector<128x128xbf16>, vector<1000x128xf32> -> vector<1000x128xf32>
    %swap3A_59 = arith.constant 4 : index
    %swap3A_60 = arith.constant 0 : index
    %swap3A_61 = arith.constant 0 : index
    %swap3A_62 = vector.load %arg3[%swap3A_59, %swap3A_60, %swap3A_61] : memref<16x1000x128xf32, #tpu.memory_space<vmem>>, vector<1x1000x128xf32>
    %swap3A_63 = vector.shape_cast %swap3A_62 : vector<1x1000x128xf32> to vector<1000x128xf32>
    %swap3A_64 = vector.shape_cast %dot_general3A_58 : vector<1000x128xf32> to vector<1x1000x128xf32>
    tpu.vector_store %arg3[%swap3A_59, %swap3A_60, %swap3A_61], %swap3A_64 {strides = array<i32>} : memref<16x1000x128xf32, #tpu.memory_space<vmem>>, vector<1x1000x128xf32>,
    %get3A_65 = arith.constant 5 : index
    %get3A_66 = arith.constant 0 : index
    %get3A_67 = arith.constant 0 : index
    %get3A_68 = vector.load %arg2[%get3A_65, %get3A_66, %get3A_67] : memref<16x128x128xbf16, #tpu.memory_space<vmem>>, vector<1x128x128xbf16>
    %get3A_69 = vector.shape_cast %get3A_68 : vector<1x128x128xbf16> to vector<128x128xbf16>
    %dot_general3A_70 = arith.constant dense<0.000000e+00> : vector<1000x128xf32>
    %dot_general3A_71 = tpu.matmul %get3A_1, %get3A_69, %dot_general3A_70 {dimension_numbers = #tpu.dot_dimension_numbers<[1], [0], [0], [1], [0, 0, 1, 1], [], []>, transpose_lhs_hint = false} : vector<1000x128xbf16>, vector<128x128xbf16>, vector<1000x128xf32> -> vector<1000x128xf32>
    %swap3A_72 = arith.constant 5 : index
    %swap3A_73 = arith.constant 0 : index
    %swap3A_74 = arith.constant 0 : index
    %swap3A_75 = vector.load %arg3[%swap3A_72, %swap3A_73, %swap3A_74] : memref<16x1000x128xf32, #tpu.memory_space<vmem>>, vector<1x1000x128xf32>
    %swap3A_76 = vector.shape_cast %swap3A_75 : vector<1x1000x128xf32> to vector<1000x128xf32>
    %swap3A_77 = vector.shape_cast %dot_general3A_71 : vector<1000x128xf32> to vector<1x1000x128xf32>
    tpu.vector_store %arg3[%swap3A_72, %swap3A_73, %swap3A_74], %swap3A_77 {strides = array<i32>} : memref<16x1000x128xf32, #tpu.memory_space<vmem>>, vector<1x1000x128xf32>,
    %get3A_78 = arith.constant 6 : index
    %get3A_79 = arith.constant 0 : index
    %get3A_80 = arith.constant 0 : index
    %get3A_81 = vector.load %arg2[%get3A_78, %get3A_79, %get3A_80] : memref<16x128x128xbf16, #tpu.memory_space<vmem>>, vector<1x128x128xbf16>
    %get3A_82 = vector.shape_cast %get3A_81 : vector<1x128x128xbf16> to vector<128x128xbf16>
    %dot_general3A_83 = arith.constant dense<0.000000e+00> : vector<1000x128xf32>
    %dot_general3A_84 = tpu.matmul %get3A_1, %get3A_82, %dot_general3A_83 {dimension_numbers = #tpu.dot_dimension_numbers<[1], [0], [0], [1], [0, 0, 1, 1], [], []>, transpose_lhs_hint = false} : vector<1000x128xbf16>, vector<128x128xbf16>, vector<1000x128xf32> -> vector<1000x128xf32>
    %swap3A_85 = arith.constant 6 : index
    %swap3A_86 = arith.constant 0 : index
    %swap3A_87 = arith.constant 0 : index
    %swap3A_88 = vector.load %arg3[%swap3A_85, %swap3A_86, %swap3A_87] : memref<16x1000x128xf32, #tpu.memory_space<vmem>>, vector<1x1000x128xf32>
    %swap3A_89 = vector.shape_cast %swap3A_88 : vector<1x1000x128xf32> to vector<1000x128xf32>
    %swap3A_90 = vector.shape_cast %dot_general3A_84 : vector<1000x128xf32> to vector<1x1000x128xf32>
    tpu.vector_store %arg3[%swap3A_85, %swap3A_86, %swap3A_87], %swap3A_90 {strides = array<i32>} : memref<16x1000x128xf32, #tpu.memory_space<vmem>>, vector<1x1000x128xf32>,
    %get3A_91 = arith.constant 7 : index
    %get3A_92 = arith.constant 0 : index
    %get3A_93 = arith.constant 0 : index
    %get3A_94 = vector.load %arg2[%get3A_91, %get3A_92, %get3A_93] : memref<16x128x128xbf16, #tpu.memory_space<vmem>>, vector<1x128x128xbf16>
    %get3A_95 = vector.shape_cast %get3A_94 : vector<1x128x128xbf16> to vector<128x128xbf16>
    %dot_general3A_96 = arith.constant dense<0.000000e+00> : vector<1000x128xf32>
    %dot_general3A_97 = tpu.matmul %get3A_1, %get3A_95, %dot_general3A_96 {dimension_numbers = #tpu.dot_dimension_numbers<[1], [0], [0], [1], [0, 0, 1, 1], [], []>, transpose_lhs_hint = false} : vector<1000x128xbf16>, vector<128x128xbf16>, vector<1000x128xf32> -> vector<1000x128xf32>
    %swap3A_98 = arith.constant 7 : index
    %swap3A_99 = arith.constant 0 : index
    %swap3A_100 = arith.constant 0 : index
    %swap3A_101 = vector.load %arg3[%swap3A_98, %swap3A_99, %swap3A_100] : memref<16x1000x128xf32, #tpu.memory_space<vmem>>, vector<1x1000x128xf32>
    %swap3A_102 = vector.shape_cast %swap3A_101 : vector<1x1000x128xf32> to vector<1000x128xf32>
    %swap3A_103 = vector.shape_cast %dot_general3A_97 : vector<1000x128xf32> to vector<1x1000x128xf32>
    tpu.vector_store %arg3[%swap3A_98, %swap3A_99, %swap3A_100], %swap3A_103 {strides = array<i32>} : memref<16x1000x128xf32, #tpu.memory_space<vmem>>, vector<1x1000x128xf32>,
    %get3A_104 = arith.constant 8 : index
    %get3A_105 = arith.constant 0 : index
    %get3A_106 = arith.constant 0 : index
    %get3A_107 = vector.load %arg2[%get3A_104, %get3A_105, %get3A_106] : memref<16x128x128xbf16, #tpu.memory_space<vmem>>, vector<1x128x128xbf16>
    %get3A_108 = vector.shape_cast %get3A_107 : vector<1x128x128xbf16> to vector<128x128xbf16>
    %dot_general3A_109 = arith.constant dense<0.000000e+00> : vector<1000x128xf32>
    %dot_general3A_110 = tpu.matmul %get3A_1, %get3A_108, %dot_general3A_109 {dimension_numbers = #tpu.dot_dimension_numbers<[1], [0], [0], [1], [0, 0, 1, 1], [], []>, transpose_lhs_hint = false} : vector<1000x128xbf16>, vector<128x128xbf16>, vector<1000x128xf32> -> vector<1000x128xf32>
    %swap3A_111 = arith.constant 8 : index
    %swap3A_112 = arith.constant 0 : index
    %swap3A_113 = arith.constant 0 : index
    %swap3A_114 = vector.load %arg3[%swap3A_111, %swap3A_112, %swap3A_113] : memref<16x1000x128xf32, #tpu.memory_space<vmem>>, vector<1x1000x128xf32>
    %swap3A_115 = vector.shape_cast %swap3A_114 : vector<1x1000x128xf32> to vector<1000x128xf32>
    %swap3A_116 = vector.shape_cast %dot_general3A_110 : vector<1000x128xf32> to vector<1x1000x128xf32>
    tpu.vector_store %arg3[%swap3A_111, %swap3A_112, %swap3A_113], %swap3A_116 {strides = array<i32>} : memref<16x1000x128xf32, #tpu.memory_space<vmem>>, vector<1x1000x128xf32>,
    %get3A_117 = arith.constant 9 : index
    %get3A_118 = arith.constant 0 : index
    %get3A_119 = arith.constant 0 : index
    %get3A_120 = vector.load %arg2[%get3A_117, %get3A_118, %get3A_119] : memref<16x128x128xbf16, #tpu.memory_space<vmem>>, vector<1x128x128xbf16>
    %get3A_121 = vector.shape_cast %get3A_120 : vector<1x128x128xbf16> to vector<128x128xbf16>
    %dot_general3A_122 = arith.constant dense<0.000000e+00> : vector<1000x128xf32>
    %dot_general3A_123 = tpu.matmul %get3A_1, %get3A_121, %dot_general3A_122 {dimension_numbers = #tpu.dot_dimension_numbers<[1], [0], [0], [1], [0, 0, 1, 1], [], []>, transpose_lhs_hint = false} : vector<1000x128xbf16>, vector<128x128xbf16>, vector<1000x128xf32> -> vector<1000x128xf32>
    %swap3A_124 = arith.constant 9 : index
    %swap3A_125 = arith.constant 0 : index
    %swap3A_126 = arith.constant 0 : index
    %swap3A_127 = vector.load %arg3[%swap3A_124, %swap3A_125, %swap3A_126] : memref<16x1000x128xf32, #tpu.memory_space<vmem>>, vector<1x1000x128xf32>
    %swap3A_128 = vector.shape_cast %swap3A_127 : vector<1x1000x128xf32> to vector<1000x128xf32>
    %swap3A_129 = vector.shape_cast %dot_general3A_123 : vector<1000x128xf32> to vector<1x1000x128xf32>
    tpu.vector_store %arg3[%swap3A_124, %swap3A_125, %swap3A_126], %swap3A_129 {strides = array<i32>} : memref<16x1000x128xf32, #tpu.memory_space<vmem>>, vector<1x1000x128xf32>,
    %get3A_130 = arith.constant 10 : index
    %get3A_131 = arith.constant 0 : index
    %get3A_132 = arith.constant 0 : index
    %get3A_133 = vector.load %arg2[%get3A_130, %get3A_131, %get3A_132] : memref<16x128x128xbf16, #tpu.memory_space<vmem>>, vector<1x128x128xbf16>
    %get3A_134 = vector.shape_cast %get3A_133 : vector<1x128x128xbf16> to vector<128x128xbf16>
    %dot_general3A_135 = arith.constant dense<0.000000e+00> : vector<1000x128xf32>
    %dot_general3A_136 = tpu.matmul %get3A_1, %get3A_134, %dot_general3A_135 {dimension_numbers = #tpu.dot_dimension_numbers<[1], [0], [0], [1], [0, 0, 1, 1], [], []>, transpose_lhs_hint = false} : vector<1000x128xbf16>, vector<128x128xbf16>, vector<1000x128xf32> -> vector<1000x128xf32>
    %swap3A_137 = arith.constant 10 : index
    %swap3A_138 = arith.constant 0 : index
    %swap3A_139 = arith.constant 0 : index
    %swap3A_140 = vector.load %arg3[%swap3A_137, %swap3A_138, %swap3A_139] : memref<16x1000x128xf32, #tpu.memory_space<vmem>>, vector<1x1000x128xf32>
    %swap3A_141 = vector.shape_cast %swap3A_140 : vector<1x1000x128xf32> to vector<1000x128xf32>
    %swap3A_142 = vector.shape_cast %dot_general3A_136 : vector<1000x128xf32> to vector<1x1000x128xf32>
    tpu.vector_store %arg3[%swap3A_137, %swap3A_138, %swap3A_139], %swap3A_142 {strides = array<i32>} : memref<16x1000x128xf32, #tpu.memory_space<vmem>>, vector<1x1000x128xf32>,
    %get3A_143 = arith.constant 11 : index
    %get3A_144 = arith.constant 0 : index
    %get3A_145 = arith.constant 0 : index
    %get3A_146 = vector.load %arg2[%get3A_143, %get3A_144, %get3A_145] : memref<16x128x128xbf16, #tpu.memory_space<vmem>>, vector<1x128x128xbf16>
    %get3A_147 = vector.shape_cast %get3A_146 : vector<1x128x128xbf16> to vector<128x128xbf16>
    %dot_general3A_148 = arith.constant dense<0.000000e+00> : vector<1000x128xf32>
    %dot_general3A_149 = tpu.matmul %get3A_1, %get3A_147, %dot_general3A_148 {dimension_numbers = #tpu.dot_dimension_numbers<[1], [0], [0], [1], [0, 0, 1, 1], [], []>, transpose_lhs_hint = false} : vector<1000x128xbf16>, vector<128x128xbf16>, vector<1000x128xf32> -> vector<1000x128xf32>
    %swap3A_150 = arith.constant 11 : index
    %swap3A_151 = arith.constant 0 : index
    %swap3A_152 = arith.constant 0 : index
    %swap3A_153 = vector.load %arg3[%swap3A_150, %swap3A_151, %swap3A_152] : memref<16x1000x128xf32, #tpu.memory_space<vmem>>, vector<1x1000x128xf32>
    %swap3A_154 = vector.shape_cast %swap3A_153 : vector<1x1000x128xf32> to vector<1000x128xf32>
    %swap3A_155 = vector.shape_cast %dot_general3A_149 : vector<1000x128xf32> to vector<1x1000x128xf32>
    tpu.vector_store %arg3[%swap3A_150, %swap3A_151, %swap3A_152], %swap3A_155 {strides = array<i32>} : memref<16x1000x128xf32, #tpu.memory_space<vmem>>, vector<1x1000x128xf32>,
    %get3A_156 = arith.constant 12 : index
    %get3A_157 = arith.constant 0 : index
    %get3A_158 = arith.constant 0 : index
    %get3A_159 = vector.load %arg2[%get3A_156, %get3A_157, %get3A_158] : memref<16x128x128xbf16, #tpu.memory_space<vmem>>, vector<1x128x128xbf16>
    %get3A_160 = vector.shape_cast %get3A_159 : vector<1x128x128xbf16> to vector<128x128xbf16>
    %dot_general3A_161 = arith.constant dense<0.000000e+00> : vector<1000x128xf32>
    %dot_general3A_162 = tpu.matmul %get3A_1, %get3A_160, %dot_general3A_161 {dimension_numbers = #tpu.dot_dimension_numbers<[1], [0], [0], [1], [0, 0, 1, 1], [], []>, transpose_lhs_hint = false} : vector<1000x128xbf16>, vector<128x128xbf16>, vector<1000x128xf32> -> vector<1000x128xf32>
    %swap3A_163 = arith.constant 12 : index
    %swap3A_164 = arith.constant 0 : index
    %swap3A_165 = arith.constant 0 : index
    %swap3A_166 = vector.load %arg3[%swap3A_163, %swap3A_164, %swap3A_165] : memref<16x1000x128xf32, #tpu.memory_space<vmem>>, vector<1x1000x128xf32>
    %swap3A_167 = vector.shape_cast %swap3A_166 : vector<1x1000x128xf32> to vector<1000x128xf32>
    %swap3A_168 = vector.shape_cast %dot_general3A_162 : vector<1000x128xf32> to vector<1x1000x128xf32>
    tpu.vector_store %arg3[%swap3A_163, %swap3A_164, %swap3A_165], %swap3A_168 {strides = array<i32>} : memref<16x1000x128xf32, #tpu.memory_space<vmem>>, vector<1x1000x128xf32>,
    %get3A_169 = arith.constant 13 : index
    %get3A_170 = arith.constant 0 : index
    %get3A_171 = arith.constant 0 : index
    %get3A_172 = vector.load %arg2[%get3A_169, %get3A_170, %get3A_171] : memref<16x128x128xbf16, #tpu.memory_space<vmem>>, vector<1x128x128xbf16>
    %get3A_173 = vector.shape_cast %get3A_172 : vector<1x128x128xbf16> to vector<128x128xbf16>
    %dot_general3A_174 = arith.constant dense<0.000000e+00> : vector<1000x128xf32>
    %dot_general3A_175 = tpu.matmul %get3A_1, %get3A_173, %dot_general3A_174 {dimension_numbers = #tpu.dot_dimension_numbers<[1], [0], [0], [1], [0, 0, 1, 1], [], []>, transpose_lhs_hint = false} : vector<1000x128xbf16>, vector<128x128xbf16>, vector<1000x128xf32> -> vector<1000x128xf32>
    %swap3A_176 = arith.constant 13 : index
    %swap3A_177 = arith.constant 0 : index
    %swap3A_178 = arith.constant 0 : index
    %swap3A_179 = vector.load %arg3[%swap3A_176, %swap3A_177, %swap3A_178] : memref<16x1000x128xf32, #tpu.memory_space<vmem>>, vector<1x1000x128xf32>
    %swap3A_180 = vector.shape_cast %swap3A_179 : vector<1x1000x128xf32> to vector<1000x128xf32>
    %swap3A_181 = vector.shape_cast %dot_general3A_175 : vector<1000x128xf32> to vector<1x1000x128xf32>
    tpu.vector_store %arg3[%swap3A_176, %swap3A_177, %swap3A_178], %swap3A_181 {strides = array<i32>} : memref<16x1000x128xf32, #tpu.memory_space<vmem>>, vector<1x1000x128xf32>,
    %get3A_182 = arith.constant 14 : index
    %get3A_183 = arith.constant 0 : index
    %get3A_184 = arith.constant 0 : index
    %get3A_185 = vector.load %arg2[%get3A_182, %get3A_183, %get3A_184] : memref<16x128x128xbf16, #tpu.memory_space<vmem>>, vector<1x128x128xbf16>
    %get3A_186 = vector.shape_cast %get3A_185 : vector<1x128x128xbf16> to vector<128x128xbf16>
    %dot_general3A_187 = arith.constant dense<0.000000e+00> : vector<1000x128xf32>
    %dot_general3A_188 = tpu.matmul %get3A_1, %get3A_186, %dot_general3A_187 {dimension_numbers = #tpu.dot_dimension_numbers<[1], [0], [0], [1], [0, 0, 1, 1], [], []>, transpose_lhs_hint = false} : vector<1000x128xbf16>, vector<128x128xbf16>, vector<1000x128xf32> -> vector<1000x128xf32>
    %swap3A_189 = arith.constant 14 : index
    %swap3A_190 = arith.constant 0 : index
    %swap3A_191 = arith.constant 0 : index
    %swap3A_192 = vector.load %arg3[%swap3A_189, %swap3A_190, %swap3A_191] : memref<16x1000x128xf32, #tpu.memory_space<vmem>>, vector<1x1000x128xf32>
    %swap3A_193 = vector.shape_cast %swap3A_192 : vector<1x1000x128xf32> to vector<1000x128xf32>
    %swap3A_194 = vector.shape_cast %dot_general3A_188 : vector<1000x128xf32> to vector<1x1000x128xf32>
    tpu.vector_store %arg3[%swap3A_189, %swap3A_190, %swap3A_191], %swap3A_194 {strides = array<i32>} : memref<16x1000x128xf32, #tpu.memory_space<vmem>>, vector<1x1000x128xf32>,
    %get3A_195 = arith.constant 15 : index
    %get3A_196 = arith.constant 0 : index
    %get3A_197 = arith.constant 0 : index
    %get3A_198 = vector.load %arg2[%get3A_195, %get3A_196, %get3A_197] : memref<16x128x128xbf16, #tpu.memory_space<vmem>>, vector<1x128x128xbf16>
    %get3A_199 = vector.shape_cast %get3A_198 : vector<1x128x128xbf16> to vector<128x128xbf16>
    %dot_general3A_200 = arith.constant dense<0.000000e+00> : vector<1000x128xf32>
    %dot_general3A_201 = tpu.matmul %get3A_1, %get3A_199, %dot_general3A_200 {dimension_numbers = #tpu.dot_dimension_numbers<[1], [0], [0], [1], [0, 0, 1, 1], [], []>, transpose_lhs_hint = false} : vector<1000x128xbf16>, vector<128x128xbf16>, vector<1000x128xf32> -> vector<1000x128xf32>
    %swap3A_202 = arith.constant 15 : index
    %swap3A_203 = arith.constant 0 : index
    %swap3A_204 = arith.constant 0 : index
    %swap3A_205 = vector.load %arg3[%swap3A_202, %swap3A_203, %swap3A_204] : memref<16x1000x128xf32, #tpu.memory_space<vmem>>, vector<1x1000x128xf32>
    %swap3A_206 = vector.shape_cast %swap3A_205 : vector<1x1000x128xf32> to vector<1000x128xf32>
    %swap3A_207 = vector.shape_cast %dot_general3A_201 : vector<1000x128xf32> to vector<1x1000x128xf32>
    tpu.vector_store %arg3[%swap3A_202, %swap3A_203, %swap3A_204], %swap3A_207 {strides = array<i32>} : memref<16x1000x128xf32, #tpu.memory_space<vmem>>, vector<1x1000x128xf32>,
    return
  }
  func.func @transform_0(%arg0: i32) -> (i32, i32) {
    %c0_i32 = arith.constant 0 : i32
    %c0_i32_0 = arith.constant 0 : i32
    return %arg0, %c0_i32 : i32, i32
  }
  func.func @transform_1(%arg0: i32) -> (i32, i32, i32) {
    %c0_i32 = arith.constant 0 : i32
    %c0_i32_0 = arith.constant 0 : i32
    %c0_i32_1 = arith.constant 0 : i32
    %c0_i32_2 = arith.constant 0 : i32
    return %c0_i32, %c0_i32_0, %c0_i32_1 : i32, i32, i32
  }
  func.func @transform_2(%arg0: i32) -> (i32, i32, i32) {
    %c0_i32 = arith.constant 0 : i32
    %c0_i32_0 = arith.constant 0 : i32
    %c0_i32_1 = arith.constant 0 : i32
    return %c0_i32, %arg0, %c0_i32_0 : i32, i32, i32
  }
}

module attributes {stable_mosaic.version = 14 : i64} {
  func.func @_final_body(%arg0: i32, %arg1: memref<1000x128xf32, #tpu.memory_space<vmem>>, %arg2: memref<2x1000x128xf32, #tpu.memory_space<vmem>>, %arg3: memref<1x1000x1xf32, #tpu.memory_space<vmem>>, %arg4: memref<1000x128xf32, #tpu.memory_space<vmem>>) attributes {dimension_semantics = [#tpu.dimension_semantics<arbitrary>], iteration_bounds = array<i64: 10>, scalar_prefetch = 0 : i64, scratch_operands = 0 : i64, tpu.core_type = #tpu.core_type<tc>, window_params = [{transform_indices = @transform_0, window_bounds = array<i64: 1000, 128>}, {transform_indices = @transform_1, window_bounds = array<i64: 2, 1000, 128>}, {transform_indices = @transform_2, window_bounds = array<i64: 1, 1000, 1>}, {transform_indices = @transform_3, window_bounds = array<i64: 1000, 128>}]} {
    %get3A = arith.constant 0 : index
    %get3A_0 = arith.constant 0 : index
    %get3A_1 = vector.load %arg1[%get3A, %get3A_0] : memref<1000x128xf32, #tpu.memory_space<vmem>>, vector<1000x128xf32>
    %get3A_2 = arith.constant 0 : index
    %get3A_3 = arith.constant 0 : index
    %get3A_4 = arith.constant 0 : index
    %get3A_5 = vector.load %arg2[%get3A_2, %get3A_3, %get3A_4] : memref<2x1000x128xf32, #tpu.memory_space<vmem>>, vector<1x1000x128xf32>
    %get3A_6 = vector.shape_cast %get3A_5 : vector<1x1000x128xf32> to vector<1000x128xf32>
    %get3A_7 = arith.constant 1 : index
    %get3A_8 = arith.constant 0 : index
    %get3A_9 = arith.constant 0 : index
    %get3A_10 = vector.load %arg2[%get3A_7, %get3A_8, %get3A_9] : memref<2x1000x128xf32, #tpu.memory_space<vmem>>, vector<1x1000x128xf32>
    %get3A_11 = vector.shape_cast %get3A_10 : vector<1x1000x128xf32> to vector<1000x128xf32>
    %add3A = arith.addf %get3A_6, %get3A_11 : vector<1000x128xf32>
    %get3A_12 = arith.constant 0 : index
    %get3A_13 = arith.constant 0 : index
    %get3A_14 = arith.constant 0 : index
    %get3A_15 = vector.load %arg3[%get3A_12, %get3A_13, %get3A_14] : memref<1x1000x1xf32, #tpu.memory_space<vmem>>, vector<1x1000x1xf32>
    %get3A_16 = vector.shape_cast %get3A_15 : vector<1x1000x1xf32> to vector<1000x1xf32>
    %max3A = arith.constant 1.000000e+00 : f32
    %max3A_17 = vector.broadcast %max3A : f32 to vector<1000x1xf32>
    %max3A_18 = arith.maximumf %get3A_16, %max3A_17 : vector<1000x1xf32>
    %mul3A = arith.constant 2.000000e-01 : f32
    %mul3A_19 = vector.broadcast %mul3A : f32 to vector<1000x128xf32>
    %mul3A_20 = arith.mulf %mul3A_19, %get3A_1 : vector<1000x128xf32>
    %div3A = vector.broadcast %max3A_18 : vector<1000x1xf32> to vector<1000x128xf32>
    %div3A_21 = arith.divf %add3A, %div3A : vector<1000x128xf32>
    %mul3A_22 = arith.constant 8.000000e-01 : f32
    %mul3A_23 = vector.broadcast %mul3A_22 : f32 to vector<1000x128xf32>
    %mul3A_24 = arith.mulf %mul3A_23, %div3A_21 : vector<1000x128xf32>
    %add3A_25 = arith.addf %mul3A_20, %mul3A_24 : vector<1000x128xf32>
    %max3A_26 = arith.constant 0.000000e+00 : f32
    %max3A_27 = vector.broadcast %max3A_26 : f32 to vector<1000x128xf32>
    %max3A_28 = arith.maximumf %add3A_25, %max3A_27 : vector<1000x128xf32>
    %gt3A = arith.constant 0.000000e+00 : f32
    %gt3A_29 = vector.broadcast %gt3A : f32 to vector<1000x1xf32>
    %gt3A_30 = arith.cmpf ogt, %get3A_16, %gt3A_29 : vector<1000x1xf32>
    %broadcast_in_dim3A = vector.shape_cast %gt3A_30 : vector<1000x1xi1> to vector<1000x1xi1>
    %broadcast_in_dim3A_31 = vector.broadcast %broadcast_in_dim3A : vector<1000x1xi1> to vector<1000x128xi1>
    %select_n3A = arith.select %broadcast_in_dim3A_31, %max3A_28, %get3A_1 : vector<1000x128xi1>, vector<1000x128xf32>
    %swap3A = arith.constant 0 : index
    %swap3A_32 = arith.constant 0 : index
    %swap3A_33 = vector.load %arg4[%swap3A, %swap3A_32] : memref<1000x128xf32, #tpu.memory_space<vmem>>, vector<1000x128xf32>
    tpu.vector_store %arg4[%swap3A, %swap3A_32], %select_n3A {strides = array<i32>} : memref<1000x128xf32, #tpu.memory_space<vmem>>, vector<1000x128xf32>,
    return
  }
  func.func @transform_0(%arg0: i32) -> (i32, i32) {
    %c0_i32 = arith.constant 0 : i32
    %c0_i32_0 = arith.constant 0 : i32
    return %arg0, %c0_i32 : i32, i32
  }
  func.func @transform_1(%arg0: i32) -> (i32, i32, i32) {
    %c0_i32 = arith.constant 0 : i32
    %c0_i32_0 = arith.constant 0 : i32
    %c0_i32_1 = arith.constant 0 : i32
    return %c0_i32, %arg0, %c0_i32_0 : i32, i32, i32
  }
  func.func @transform_2(%arg0: i32) -> (i32, i32, i32) {
    %c0_i32 = arith.constant 0 : i32
    %c0_i32_0 = arith.constant 0 : i32
    %c0_i32_1 = arith.constant 0 : i32
    return %arg0, %c0_i32, %c0_i32_0 : i32, i32, i32
  }
  func.func @transform_3(%arg0: i32) -> (i32, i32) {
    %c0_i32 = arith.constant 0 : i32
    %c0_i32_0 = arith.constant 0 : i32
    return %arg0, %c0_i32 : i32, i32
  }
}

</mosaic_0001>

<sc_bundles>
// kernel: kernel.6.cloned.1.call-start
scs
__scs_entry_jumppad:
0x0: {  	(pc) =	sbr.rel $0x88, $3  }
0x1: {  	(tag) =	ssettag $0x0;
	lr =	simm.s32 $0x1  }
0x2: {  	[smem:$0x3F9D] =	sst lr;
	_ =	strace $0xD0000000  }
0x3: {  	_ = 	snop  }
0x4: {  	_ = 	snop  }
0x5: {  	_ = 	snop  }
0x6: {  	_ = 	snop  }
0x7: {  	_ = 	snop  }
__scs_overlays_trampoline_lowered:
0x8: {  	[smem:$0x3FAC] =	sst s0  }
0x9: {  	[smem:$0x3FAD] =	sst s1  }
0xa: {  	[smem:$0x3FAE] =	sst s2  }
0xb: {  	[smem:$0x3FAF] =	sst s3  }
0xc: {  	[smem:$0x3FB0] =	sst s4  }
0xd: {  	[smem:$0x3FB1] =	sst s5  }
0xe: {  	[smem:$0x3FB2] =	sst s6  }
0xf: {  	[smem:$0x3FB3] =	sst s7  }
0x10: {  	[smem:$0x3FB4] =	sst s8  }
0x11: {  	[smem:$0x3FB5] =	sst s9;
	s0 =	simm.s32 @!p0 $0x0  }
0x12: {  	s1 =	sld [smem:$0x3F9B];
	s0 =	simm.s32 @p0 $0x1  }
0x13: {  	[smem:$0x3FB6] =	sst s0;
	s0 =	simm.s32 @!p1 $0x0  }
0x14: {  	s2 =	sld [smem:$0x3F9A];
	s0 =	simm.s32 @p1 $0x1  }
0x15: {  	[smem:$0x3FB7] =	sst s0;
	s0 =	simm.s32 @!p2 $0x0  }
0x16: {  	s3 =	sld [smem:$0x3FDB];
	s0 =	simm.s32 @p2 $0x1  }
0x17: {  	s4 =	simm.s32 $0x1BF5;
	[smem:$0x3FB9] =	sst s0  }
0x18: {  	s0 =	sld [smem:$0x3F9C];
	_ =	swait.ge [sflag:s4], $0x0  }
0x19: {  	s7 =	sld [smem:$0x3F9D]  }
0x1a: {  	s8 =	sadd.s32 $0xFFFFE003, lr  }
0x1b: {  	s9 =	sadd.s32 $0xFFFFFEF7, lr;
	s5 =	simm.s32 $0xFFFFFFFF;
	p2 =	slt.u32 s8, $0xFFFFF086  }
0x1c: {  	p1 =	slt.u32 s9, $0xF7A;
	s5 =	simm.s32 @!p2 $0x0  }
0x1d: {  	s5 =	simm.s32 @p1 $0x1;
	p0 =	seq.s32 s7, s2  }
0x1e: {  	s7 =	smul.u32 @!p0 $0xF7A, s2;
	p2 =	seq.s32 @!p0 s5, $0x0  }
0x1f: {  	s9 =	smul.u32 $0xF7A, s1;
	s8 =	simm.s32 @!p0 $0x1BF5;
	p2 =	por !p2, p0  }
0x20: {  	[sflag:s8] =	ssyncset.s32 @!p0 $0xFFFFF086;
	s6 =	sadd.s32 @!p0 s3, s7;
	s7 =	simm.s32 @!p0 $0x108  }
0x21: {  	s3 =	sadd.s32 s3, s9;
	s6 =	sadd.s32 @!p0 $0x88, s6;
	s7 =	simm.s32 @p2 $0x1082  }
0x22: {  	[simem:s7], [sflag:s8] =	dma.local @!p0 [hbm:s6], $0xF7A  }
0x23: {  	s9 =	sor.u32 $0xD0000000, s2;
	s6 =	simm.s32 $0x108;
	_ =	swait.ge @!p0 [sflag:s8], $0x0  }
0x24: {  	s3 =	sadd.s32 $0x88, s3;
	s6 =	simm.s32 @!p1 $0x1082;
	[sflag:s4] =	ssyncset.s32 $0xFFFFF086  }
0x25: {  	[simem:s6], [sflag:s4] =	dma.local [hbm:s3], $0xF7A  }
0x26: {  	[smem:$0x3F9D] =	sst s1;
	(tag) =	ssettag s2;
	_ =	strace s9  }
0x27: {  	s1 =	sld [smem:$0x3FAD]  }
0x28: {  	s2 =	sld [smem:$0x3FAE]  }
0x29: {  	s4 =	sld [smem:$0x3FB0]  }
0x2a: {  	p0 =	seq.s32 s5, $0x0;
	s5 =	sld [smem:$0x3FB1]  }
0x2b: {  	s6 =	sld [smem:$0x3FB2]  }
0x2c: {  	s7 =	sld [smem:$0x3FB3]  }
0x2d: {  	s3 =	simm.s32 $0x108;
	s8 =	sld [smem:$0x3FB4]  }
0x2e: {  	s3 =	simm.s32 @!p0 $0x1082;
	s9 =	sld [smem:$0x3FB5]  }
0x2f: {  	lr =	sadd.s32 s0, s3;
	s0 =	sld [smem:$0x3FAC]  }
0x30: {  	s3 =	sld [smem:$0x3FAF]  }
0x31: {  	[smem:$0x3FB8] =	sst s10  }
0x32: {  	s10 =	sld [smem:$0x3FB6];
	_ =	sdelay $0x3  }
0x33: {  	p0 =	seq.s32 s10, $0x1;
	s10 =	sld [smem:$0x3FB8];
	_ =	sdelay $0x3  }
0x34: {  	[smem:$0x3FB8] =	sst s10  }
0x35: {  	s10 =	sld [smem:$0x3FB7];
	_ =	sdelay $0x3  }
0x36: {  	p1 =	seq.s32 s10, $0x1;
	s10 =	sld [smem:$0x3FB8];
	_ =	sdelay $0x3  }
0x37: {  	[smem:$0x3FB8] =	sst s10  }
0x38: {  	s10 =	sld [smem:$0x3FB9]  }
0x39: {  	_ = 	snop;
	(pc) =	sbr.ind lr, $3  }
0x3a: {  	_ = 	snop  }
0x3b: {  	_ = 	snop  }
0x3c: {  	p2 =	seq.s32 s10, $0x1;
	s10 =	sld [smem:$0x3FB8]  }
0x3d: {  	_ =	shalt  }
0x3e: {  	_ =	shalt  }
0x3f: {  	_ =	shalt  }
0x40: {  	_ =	shalt  }
0x41: {  	_ =	shalt  }
0x42: {  	_ =	shalt  }
0x43: {  	_ =	shalt  }
0x44: {  	_ =	shalt  }
0x45: {  	_ =	shalt  }
0x46: {  	_ =	shalt  }
0x47: {  	_ =	shalt  }
0x48: {  	_ =	shalt  }
0x49: {  	_ =	shalt  }
0x4a: {  	_ =	shalt  }
0x4b: {  	_ =	shalt  }
0x4c: {  	_ =	shalt  }
0x4d: {  	_ =	shalt  }
0x4e: {  	_ =	shalt  }
0x4f: {  	_ =	shalt  }
0x50: {  	_ =	shalt  }
0x51: {  	_ =	shalt  }
0x52: {  	_ =	shalt  }
0x53: {  	_ =	shalt  }
0x54: {  	_ =	shalt  }
0x55: {  	_ =	shalt  }
0x56: {  	_ =	shalt  }
0x57: {  	_ =	shalt  }
0x58: {  	_ =	shalt  }
0x59: {  	_ =	shalt  }
0x5a: {  	_ =	shalt  }
0x5b: {  	_ =	shalt  }
0x5c: {  	_ =	shalt  }
0x5d: {  	_ =	shalt  }
0x5e: {  	_ =	shalt  }
0x5f: {  	_ =	shalt  }
0x60: {  	_ =	shalt  }
0x61: {  	_ =	shalt  }
0x62: {  	_ =	shalt  }
0x63: {  	_ =	shalt  }
0x64: {  	_ =	shalt  }
0x65: {  	_ =	shalt  }
0x66: {  	_ =	shalt  }
0x67: {  	_ =	shalt  }
0x68: {  	_ =	shalt  }
0x69: {  	_ =	shalt  }
0x6a: {  	_ =	shalt  }
0x6b: {  	_ =	shalt  }
0x6c: {  	_ =	shalt  }
0x6d: {  	_ =	shalt  }
0x6e: {  	_ =	shalt  }
0x6f: {  	_ =	shalt  }
0x70: {  	_ =	shalt  }
0x71: {  	_ =	shalt  }
0x72: {  	_ =	shalt  }
0x73: {  	_ =	shalt  }
0x74: {  	_ =	shalt  }
0x75: {  	_ =	shalt  }
0x76: {  	_ =	shalt  }
0x77: {  	_ =	shalt  }
0x78: {  	_ =	shalt  }
0x79: {  	_ =	shalt  }
0x7a: {  	_ =	shalt  }
0x7b: {  	_ =	shalt  }
0x7c: {  	_ =	shalt  }
0x7d: {  	_ =	shalt  }
0x7e: {  	_ =	shalt  }
0x7f: {  	_ =	shalt  }
0x80: {  	_ =	shalt  }
0x81: {  	_ =	shalt  }
0x82: {  	_ =	shalt  }
0x83: {  	_ =	shalt  }
0x84: {  	_ =	shalt  }
0x85: {  	_ =	shalt  }
0x86: {  	_ =	shalt  }
0x87: {  	_ =	shalt  }
.Lfunc_end0:
.L_simem_size_0:
called_computation_lowered:
.L_overlay_start_0:
0x88: {  	s2 =	sld [smem:$0x3FD9]  }
0x89: {  	s3 =	sld [smem:$0x3FFE];
	_ =	sdelay $0x1  }
0x8a: {  	s1 =	srdreg.scid  }
0x8b: {  	s0 =	sand.u32 $0x1, s1  }
0x8c: {  	s16 =	sshll.u32 s0, $0xA;
	s2 =	sadd.s32 s3, s2  }
0x8d: {  	s2 =	sadd.s32 s2, s16  }
0x8e: {  	[smem:$0x3FC4] =	sst s2  }
0x8f: {  	_ = 	snop  }
0x90: {  	(tm) =	ssettm $0x1  }
0x91: {  	s17 =	sld [smem:$0x3FFB];
	_ =	sdelay $0x3  }
0x92: {  	_ =	strace s17  }
0x93: {  	s2 =	sld [smem:$0x3FFC];
	_ =	sdelay $0x3  }
0x94: {  	_ =	strace s2  }
0x95: {  	s2 =	sld [smem:$0x3FFD];
	_ =	sdelay $0x3  }
0x96: {  	_ =	strace s2  }
0x97: {  	_ =	strace $0x8FFFFFFF  }
0x98: {  	s18 =	sld [smem:$0x3FDB];
	_ =	sdelay $0x1  }
0x99: {  	s19 =	simm.s32 $_scs_section_size  }
0x9a: {  	s4 =	simm.s32 $_size__tile_overlayer_lowered;
	s5 =	simm.s32 $_tile_overlayer_lowered  }
0x9b: {  	s22 =	simm.s32 $0x1BFF;
	s21 =	sshll.u32 s5, $0x1;
	s2 =	sadd.s32 s19, s18  }
0x9c: {  	s6 =	simm.s32 $0x0;
	s20 =	sshll.u32 s4, $0x1;
	s4 =	sadd.s32 s21, s2  }
0x9d: {  	[timem:s6], [sflag:s22] =	dma.local [hbm:s4], s20  }
0x9e: {  	_ =	swait.ge [sflag:s22], s20  }
0x9f: {  	s3 =	ssub.s32 $0x0, s20;
	[sflag:s22] =	ssyncset.done $0x0  }
0xa0: {  	[sflag:s22] =	ssyncadd.s32 s3;
	_ =	sdelay $0x1  }
0xa1: {  	s23 =	simm.s32 $0x1B8B  }
0xa2: {  	_ =	swait.ge [sflag:s23], $0x1  }
0xa3: {  	[sflag:s23] =	ssyncset.done $0x0  }
0xa4: {  	s25 =	simm.s32 $0x1B8E;
	s24 =	sld [smem:$0x3FFE];
	[sflag:s23] =	ssyncadd.s32 $0xFFFFFFFF  }
0xa5: {  	s26 =	simm.s32 $execute0_lowered;
	[smem:$0x3FD2] =	sst s25  }
0xa6: {  	s4 =	sshll.u32 s26, $0x1;
	_ =	strace $0x80000046;
	[dreg:$0x1] =	wrdreg $0xFFFFFFFF  }
0xa7: {  	s28 =	simm.s32 $_size_execute0_lowered;
	s2 =	sadd.s32 s2, s4;
	[dreg:$0x0] =	wrdreg $0x0  }
0xa8: {  	s4 =	sshll.u32 s28, $0x1;
	[dreg:$0x2] =	wrdreg s2  }
0xa9: {  	[dreg:$0x3] =	wrdreg s4  }
0xaa: {  	[dreg:$0x4] =	wrdreg $0xC0  }
0xab: {  	_ =	task [dreg:s6], $0x5FFFF  }
0xac: {  	[dreg:$0x1] =	wrdreg $0xFFFFFFFF  }
0xad: {  	[dreg:$0x0] =	wrdreg $0x60  }
0xae: {  	[dreg:$0x2] =	wrdreg s24  }
0xaf: {  	[dreg:$0x3] =	wrdreg $0x9  }
0xb0: {  	_ =	task.clear_ibuf [dreg:s6], $0x4FFFF;
	_ =	strace $0x90000046  }
0xb1: {  	s29 =	simm.s32 $0x9;
	_ =	strace $0x80000048  }
0xb2: {  	_ =	swait.ge [sflag:s29], $0x1  }
0xb3: {  	[sflag:s29] =	ssyncadd.s32 $0xFFFFFFFF  }
0xb4: {  	_ =	strace $0x90000048  }
0xb5: {  	_ =	sfence  }
0xb6: {  	s30 =	sld [smem:$0x0];
	_ =	sdelay $0x2  }
0xb7: {  	s31 =	sshll.u32 s1, $0xD;
	s1 =	sshrl.u32 s1, $0x2  }
0xb8: {  	s3 =	sand.u32 $0x4000, s31;
	s1 =	sadd.s32 s1, s30  }
0xb9: {  	s0 =	sor.u32 s3, s0;
	s1 =	sshll.u32 s1, $0x11  }
0xba: {  	s0 =	sor.u32 s1, s0  }
0xbb: {  	s0 =	sadd.s32 $0x8F2B, s0  }
0xbc: {  	[sflag:s0] =	ssyncadd.remote.s32 $0x1  }
0xbd: {  	_ =	sfence.sel $0xFFFF  }
0xbe: {  	[dreg:$0x0] =	wrdreg $0xFFFFFFFF;
	(pc) =	sbr.abs _section_cstart, $3  }
0xbf: {  	[dreg:$0x1] =	wrdreg $0xFFFFFFFF  }
0xc0: {  	_ =	task.clear_ibuf [dreg:s6], $0x2FFFF;
	_ =	strace $0x9FFFFFFF  }
0xc1: {  	(tm) =	ssettm $0x7FFFFFFF  }
tec
execute0_lowered:
.L_overlay_start_1:
0x0: {  	(tag) =	ssettag $0x1  }
0x1: {  	s1 =	srdreg.scid  }
0x2: {  	s0 =	stileid.u32;
	s5 =	rddreg [dreg:$0x0]  }
0x3: {  	s2 =	simm.s32 $0x0;
	s12 =	simm.s32 $0x16800;
	s13 =	simm.s32 $0x1  }
0x4: {  	s14 =	simm.s32 $0x16880;
	s3 =	sand.u32 $0x1, s1;
	s30 =	sshll.u32 s0, $0x1  }
0x5: {  	s15 =	simm.s32 $0x800;
	s16 =	simm.s32 $0x14080;
	s4 =	sor.u32 s3, s30  }
0x6: {  	s17 =	simm.s32 $0x0;
	s1 =	rddreg [dreg:$0x1];
	s6 =	smul.u32 $0x2800, s4  }
0x7: {  	[smem:$0x7FF] =	sst s2;
	s31 =	ssub.s32 $0x2, s3;
	s4 =	smul.u32 $0x4F0, s4  }
0x8: {  	_ =	strace $0x80000047;
	s3 =	sadd.s32 $0x800, s5;
	s8 =	sshrl.u32 s31, $0x1  }
0x9: {  	s6 =	sshrl.u32 s6, $0x3;
	s7 =	sadd.s32 s4, s5;
	s4 =	sadd.s32 $0xAA00, s5  }
0xa: {  	s11 =	sadd.s32 s6, s5;
	s6 =	ssub.s32 s31, s8;
	s5 =	sadd.s32 $0xAC00, s7  }
0xb: {  	s6 =	smax.u32 s6, $0x1;
	s7 =	sadd.s32 $0xA00, s11;
	s8 =	sadd.s32 $0xB00, s11  }
0xc: {  	v0 =	vimm.f32 $0.0e+00;
	v1 =	vimm.f32 $1.000000000e+00;
	s9 =	sadd.s32 $0xC00, s11;
	s10 =	sadd.s32 $0xD00, s11;
	s11 =	sadd.s32 $0xE00, s11  }
.LBB2_1:
0xd: {  	[tilespmem:s12], [sflag:$0x1] =	stream.linear.gather [hbm4b:s3+s2], $0x80, $0x38;
	[tilespmem:$0x16900] =	vst v63  }
0xe: {  	_ =	swait.ge [sflag:s13], $0x80  }
0xf: {  	[sflag:s13] =	ssyncset.done $0x0  }
0x10: {  	[sflag:s13] =	ssyncadd.s32 $0xFFFFFF80  }
0x11: {  	[tilespmem:s14], [sflag:$0x1] =	stream.linear.gather [hbm4b:s4+s2], $0x80, $0x38;
	[tilespmem:$0x16900] =	vst v63  }
0x12: {  	_ =	swait.ge [sflag:s13], $0x80  }
0x13: {  	[sflag:s13] =	ssyncset.done $0x0  }
0x14: {  	s18 =	simm.s32 $0x0;
	s19 =	simm.s32 $0x40;
	[sflag:s13] =	ssyncadd.s32 $0xFFFFFF80  }
.LBB2_2:
0x15: {  	p0 =	sne.s32 s19, $0x9C00;
	[tilespmem:s18+$0x11970] =	vst v0  }
0x16: {  	[tilespmem:s18+$0x800] =	vst v0  }
0x17: {  	[tilespmem:s18+$0x2F10] =	vst v0  }
.Ltmp0:
0x18: {  	[tilespmem:s18+$0x5620] =	vst v0;
	(pc) =	sbr.rel @p0 .LBB2_2-.Ltmp0, $4  }
0x19: {  	[tilespmem:s18+$0x7D30] =	vst v0  }
0x1a: {  	[tilespmem:s18+$0xA440] =	vst v0  }
0x1b: {  	[tilespmem:s18+$0xCB50] =	vst v0  }
0x1c: {  	[tilespmem:s18+$0xF260] =	vst v0;
	s18 =	sshra.s32 s19, $0x2;
	s19 =	sadd.s32 $0x40, s19  }
0x1d: {  	[tilespmem:s18+$0x11970] =	vst v0  }
0x1e: {  	[tilespmem:s18+$0x800] =	vst v0  }
0x1f: {  	[tilespmem:s18+$0x2F10] =	vst v0  }
0x20: {  	[tilespmem:s18+$0x5620] =	vst v0  }
0x21: {  	[tilespmem:s18+$0x7D30] =	vst v0  }
0x22: {  	[tilespmem:s18+$0xA440] =	vst v0  }
0x23: {  	[tilespmem:s18+$0xCB50] =	vst v0  }
0x24: {  	[tilespmem:s18+$0xF260] =	vst v0  }
0x25: {  	s30 =	simm.s32 $0x0;
	v3 =	vld [tilespmem:$0x16880]  }
0x26: {  	v2 =	vld [tilespmem:$0x16800];
	[tilespmem:s30], [sflag:$0x1] =	stream.linear.gather [hbm4b:s7+s30], $0x800, $0x38  }
0x27: {  	_ =	swait.ge [sflag:s13], $0x800  }
0x28: {  	[sflag:s13] =	ssyncset.done $0x0  }
0x29: {  	s31 =	simm.s32 $0x0;
	[sflag:s13] =	ssyncadd.s32 $0xFFFFF800  }
0x2a: {  	s18 =	simm.s32 $0x40;
	vm0 =	vgt.s32 v3, $0x7;
	vm1 =	vlt.s32 v3, $0x8;
	v3 =	vld [tilespmem:s31+$0x0]  }
.LBB2_4:
0x2b: {  	p0 =	sne.s32 s18, $0x1F00;
	_ =	sdelay $0x3  }
0x2c: {  	v3 =	vand.u32 $0x3FFF, v3  }
0x2d: {  	v3 =	vadd.s32 v2, v3;
	_ =	sdelay $0x2  }
.Ltmp1:
0x2e: {  	(pc) =	sbr.rel @p0 .LBB2_4-.Ltmp1, $4  }
0x2f: {  	_ = 	snop  }
0x30: {  	[tilespmem:v3+s15+$0x0] =	vst.idx.add.f32.msk vm1, v1  }
0x31: {  	s19 =	sshra.s32 s18, $0x2;
	[tilespmem:v3+s15+$0x0] =	vst.idx.add.f32.msk vm0, v1  }
0x32: {  	s18 =	sadd.s32 $0x40, s18;
	v3 =	vld [tilespmem:s19+$0x0]  }
0x33: {  	_ =	sdelay $0x3  }
0x34: {  	v3 =	vand.u32 $0x3FFF, v3  }
0x35: {  	v3 =	vadd.s32 v2, v3;
	_ =	sdelay $0x4  }
0x36: {  	[tilespmem:v3+s15+$0x0] =	vst.idx.add.f32.msk vm1, v1  }
0x37: {  	s18 =	simm.s32 $0x0;
	[tilespmem:v3+s15+$0x0] =	vst.idx.add.f32.msk vm0, v1  }
0x38: {  	[tilespmem:s18], [sflag:$0x1] =	stream.linear.gather [hbm4b:s8+s18], $0x800, $0x38;
	[tilespmem:$0x16900] =	vst v63  }
0x39: {  	_ =	swait.ge [sflag:s13], $0x800  }
0x3a: {  	[sflag:s13] =	ssyncset.done $0x0  }
0x3b: {  	s31 =	simm.s32 $0x0;
	[sflag:s13] =	ssyncadd.s32 $0xFFFFF800  }
0x3c: {  	s18 =	simm.s32 $0x40;
	v3 =	vld [tilespmem:s31+$0x0]  }
.LBB2_6:
0x3d: {  	p0 =	sne.s32 s18, $0x1F00;
	_ =	sdelay $0x3  }
0x3e: {  	v3 =	vand.u32 $0x3FFF, v3  }
0x3f: {  	v3 =	vadd.s32 v2, v3;
	_ =	sdelay $0x2  }
.Ltmp2:
0x40: {  	(pc) =	sbr.rel @p0 .LBB2_6-.Ltmp2, $4  }
0x41: {  	_ = 	snop  }
0x42: {  	[tilespmem:v3+s15+$0x0] =	vst.idx.add.f32.msk vm1, v1  }
0x43: {  	s19 =	sshra.s32 s18, $0x2;
	[tilespmem:v3+s15+$0x0] =	vst.idx.add.f32.msk vm0, v1  }
0x44: {  	s18 =	sadd.s32 $0x40, s18;
	v3 =	vld [tilespmem:s19+$0x0]  }
0x45: {  	_ =	sdelay $0x3  }
0x46: {  	v3 =	vand.u32 $0x3FFF, v3  }
0x47: {  	v3 =	vadd.s32 v2, v3;
	_ =	sdelay $0x4  }
0x48: {  	[tilespmem:v3+s15+$0x0] =	vst.idx.add.f32.msk vm1, v1  }
0x49: {  	s18 =	simm.s32 $0x0;
	[tilespmem:v3+s15+$0x0] =	vst.idx.add.f32.msk vm0, v1  }
0x4a: {  	[tilespmem:s18], [sflag:$0x1] =	stream.linear.gather [hbm4b:s9+s18], $0x800, $0x38;
	[tilespmem:$0x16900] =	vst v63  }
0x4b: {  	_ =	swait.ge [sflag:s13], $0x800  }
0x4c: {  	[sflag:s13] =	ssyncset.done $0x0  }
0x4d: {  	s31 =	simm.s32 $0x0;
	[sflag:s13] =	ssyncadd.s32 $0xFFFFF800  }
0x4e: {  	s18 =	simm.s32 $0x40;
	v3 =	vld [tilespmem:s31+$0x0]  }
.LBB2_8:
0x4f: {  	p0 =	sne.s32 s18, $0x1F00;
	_ =	sdelay $0x3  }
0x50: {  	v3 =	vand.u32 $0x3FFF, v3  }
0x51: {  	v3 =	vadd.s32 v2, v3;
	_ =	sdelay $0x2  }
.Ltmp3:
0x52: {  	(pc) =	sbr.rel @p0 .LBB2_8-.Ltmp3, $4  }
0x53: {  	_ = 	snop  }
0x54: {  	[tilespmem:v3+s15+$0x0] =	vst.idx.add.f32.msk vm1, v1  }
0x55: {  	s19 =	sshra.s32 s18, $0x2;
	[tilespmem:v3+s15+$0x0] =	vst.idx.add.f32.msk vm0, v1  }
0x56: {  	s18 =	sadd.s32 $0x40, s18;
	v3 =	vld [tilespmem:s19+$0x0]  }
0x57: {  	_ =	sdelay $0x3  }
0x58: {  	v3 =	vand.u32 $0x3FFF, v3  }
0x59: {  	v3 =	vadd.s32 v2, v3;
	_ =	sdelay $0x4  }
0x5a: {  	[tilespmem:v3+s15+$0x0] =	vst.idx.add.f32.msk vm1, v1  }
0x5b: {  	s18 =	simm.s32 $0x0;
	[tilespmem:v3+s15+$0x0] =	vst.idx.add.f32.msk vm0, v1  }
0x5c: {  	[tilespmem:s18], [sflag:$0x1] =	stream.linear.gather [hbm4b:s10+s18], $0x800, $0x38;
	[tilespmem:$0x16900] =	vst v63  }
0x5d: {  	_ =	swait.ge [sflag:s13], $0x800  }
0x5e: {  	[sflag:s13] =	ssyncset.done $0x0  }
0x5f: {  	s31 =	simm.s32 $0x0;
	[sflag:s13] =	ssyncadd.s32 $0xFFFFF800  }
0x60: {  	s18 =	simm.s32 $0x40;
	v3 =	vld [tilespmem:s31+$0x0]  }
.LBB2_10:
0x61: {  	p0 =	sne.s32 s18, $0x1F00;
	_ =	sdelay $0x3  }
0x62: {  	v3 =	vand.u32 $0x3FFF, v3  }
0x63: {  	v3 =	vadd.s32 v2, v3;
	_ =	sdelay $0x2  }
.Ltmp4:
0x64: {  	(pc) =	sbr.rel @p0 .LBB2_10-.Ltmp4, $4  }
0x65: {  	_ = 	snop  }
0x66: {  	[tilespmem:v3+s15+$0x0] =	vst.idx.add.f32.msk vm1, v1  }
0x67: {  	s19 =	sshra.s32 s18, $0x2;
	[tilespmem:v3+s15+$0x0] =	vst.idx.add.f32.msk vm0, v1  }
0x68: {  	s18 =	sadd.s32 $0x40, s18;
	v3 =	vld [tilespmem:s19+$0x0]  }
0x69: {  	_ =	sdelay $0x3  }
0x6a: {  	v3 =	vand.u32 $0x3FFF, v3  }
0x6b: {  	v3 =	vadd.s32 v2, v3;
	_ =	sdelay $0x4  }
0x6c: {  	[tilespmem:v3+s15+$0x0] =	vst.idx.add.f32.msk vm1, v1  }
0x6d: {  	s18 =	simm.s32 $0x0;
	[tilespmem:v3+s15+$0x0] =	vst.idx.add.f32.msk vm0, v1  }
0x6e: {  	[tilespmem:s18], [sflag:$0x1] =	stream.linear.gather [hbm4b:s11+s18], $0x800, $0x38;
	[tilespmem:$0x16900] =	vst v63  }
0x6f: {  	_ =	swait.ge [sflag:s13], $0x800  }
0x70: {  	[sflag:s13] =	ssyncset.done $0x0  }
0x71: {  	s18 =	simm.s32 $0x0;
	[sflag:s13] =	ssyncadd.s32 $0xFFFFF800  }
0x72: {  	s19 =	simm.s32 $0x40;
	v3 =	vld [tilespmem:s18+$0x0]  }
.LBB2_12:
0x73: {  	p0 =	sne.s32 s19, $0x1F00;
	_ =	sdelay $0x3  }
0x74: {  	v3 =	vand.u32 $0x3FFF, v3  }
0x75: {  	v3 =	vadd.s32 v2, v3;
	_ =	sdelay $0x2  }
.Ltmp5:
0x76: {  	(pc) =	sbr.rel @p0 .LBB2_12-.Ltmp5, $4  }
0x77: {  	_ = 	snop  }
0x78: {  	[tilespmem:v3+s15+$0x0] =	vst.idx.add.f32.msk vm1, v1  }
0x79: {  	s20 =	sshra.s32 s19, $0x2;
	[tilespmem:v3+s15+$0x0] =	vst.idx.add.f32.msk vm0, v1  }
0x7a: {  	s19 =	sadd.s32 $0x40, s19;
	v3 =	vld [tilespmem:s20+$0x0]  }
0x7b: {  	_ =	sdelay $0x3  }
0x7c: {  	v3 =	vand.u32 $0x3FFF, v3  }
0x7d: {  	v2 =	vadd.s32 v2, v3;
	_ =	sdelay $0x4  }
0x7e: {  	[tilespmem:v2+s15+$0x0] =	vst.idx.add.f32.msk vm1, v1  }
0x7f: {  	[tilespmem:v2+s15+$0x0] =	vst.idx.add.f32.msk vm0, v1  }
0x80: {  	v2 =	vld [tilespmem:s18+$0x800]  }
0x81: {  	v3 =	vld [tilespmem:s18+$0x2F10];
	_ =	sdelay $0x1  }
0x82: {  	v4 =	vld [tilespmem:s18+$0x5620];
	_ =	sdelay $0x1  }
0x83: {  	v5 =	vld [tilespmem:s18+$0x7D30]  }
0x84: {  	v6 =	vld [tilespmem:s18+$0xCB50];
	v2 =	vadd.f32 v3, v2  }
0x85: {  	s19 =	simm.s32 $0x10;
	v3 =	vld [tilespmem:s18+$0xA440]  }
0x86: {  	v7 =	vld [tilespmem:s19+$0x800];
	v2 =	vadd.f32 v4, v2  }
0x87: {  	v8 =	vld [tilespmem:s19+$0x2F10]  }
0x88: {  	v9 =	vld [tilespmem:s18+$0xF260];
	v2 =	vadd.f32 v5, v2  }
0x89: {  	v10 =	vld [tilespmem:s19+$0x5620]  }
0x8a: {  	v4 =	vld [tilespmem:s18+$0x11970];
	v5 =	vadd.f32 v3, v2  }
0x8b: {  	v3 =	vld [tilespmem:s19+$0x7D30]  }
0x8c: {  	v7 =	vadd.f32 v8, v7;
	v2 =	vld [tilespmem:s19+$0xCB50];
	v8 =	vadd.f32 v6, v5  }
0x8d: {  	s20 =	simm.s32 $0x20;
	v5 =	vld [tilespmem:s19+$0xA440]  }
0x8e: {  	s21 =	simm.s32 $0xC0;
	v7 =	vadd.f32 v10, v7;
	v6 =	vld [tilespmem:s20+$0x800];
	v8 =	vadd.f32 v9, v8  }
.LBB2_14:
0x8f: {  	p0 =	sne.s32 s21, $0x9C00;
	v9 =	vld [tilespmem:s20+$0x2F10]  }
0x90: {  	v3 =	vadd.f32 v3, v7;
	v10 =	vld [tilespmem:s19+$0xF260];
	v7 =	vadd.f32 v4, v8  }
0x91: {  	v8 =	vld [tilespmem:s20+$0x5620]  }
.Ltmp6:
0x92: {  	v5 =	vadd.f32 v5, v3;
	v4 =	vld [tilespmem:s19+$0x11970];
	[tilespmem:s18+$0x14080] =	vst v7;
	s18 =	smov.u32 s19;
	s19 =	smov.u32 s20;
	(pc) =	sbr.rel @p0 .LBB2_14-.Ltmp6, $4  }
0x93: {  	v3 =	vld [tilespmem:s19+$0x7D30]  }
0x94: {  	v7 =	vadd.f32 v9, v6;
	v9 =	vadd.f32 v2, v5;
	v2 =	vld [tilespmem:s19+$0xCB50]  }
0x95: {  	s20 =	sshra.s32 s21, $0x2;
	v5 =	vld [tilespmem:s19+$0xA440]  }
0x96: {  	s21 =	sadd.s32 $0x40, s21;
	v6 =	vld [tilespmem:s20+$0x800];
	v7 =	vadd.f32 v8, v7;
	v8 =	vadd.f32 v10, v9  }
0x97: {  	v9 =	vld [tilespmem:s20+$0x2F10]  }
0x98: {  	v10 =	vld [tilespmem:s19+$0xF260];
	v4 =	vadd.f32 v4, v8  }
0x99: {  	v60 =	vld [tilespmem:s20+$0x5620]  }
0x9a: {  	v11 =	vld [tilespmem:s19+$0x11970];
	[tilespmem:s18+$0x14080] =	vst v4  }
0x9b: {  	v4 =	vld [tilespmem:s20+$0x7D30]  }
0x9c: {  	v6 =	vadd.f32 v9, v6  }
0x9d: {  	v61 =	vld [tilespmem:s20+$0xA440]  }
0x9e: {  	v6 =	vadd.f32 v60, v6  }
0x9f: {  	v3 =	vadd.f32 v3, v7;
	v62 =	vld [tilespmem:s20+$0xCB50]  }
0xa0: {  	v4 =	vadd.f32 v4, v6  }
0xa1: {  	v3 =	vadd.f32 v5, v3;
	v63 =	vld [tilespmem:s20+$0xF260]  }
0xa2: {  	v4 =	vadd.f32 v61, v4  }
0xa3: {  	v2 =	vadd.f32 v2, v3;
	v3 =	vld [tilespmem:s20+$0x11970]  }
0xa4: {  	v4 =	vadd.f32 v62, v4  }
0xa5: {  	v2 =	vadd.f32 v10, v2  }
0xa6: {  	v4 =	vadd.f32 v63, v4  }
0xa7: {  	v2 =	vadd.f32 v11, v2  }
0xa8: {  	s17 =	sadd.s32 $0x1, s17;
	v3 =	vadd.f32 v3, v4  }
0xa9: {  	p0 =	sne.s32 s17, s6;
	[tilespmem:s19+$0x14080] =	vst v2  }
.Ltmp7:
0xaa: {  	[tilespmem:s20+$0x14080] =	vst v3;
	(pc) =	sbr.rel @p0 .LBB2_1-.Ltmp7, $4  }
0xab: {  	[hbm4b:s5+s2] =	stream.linear.scatter [tilespmem:s16], [sflag:$0x1], $0x2780, $0x38;
	[tilespmem:$0x16900] =	vst v63  }
0xac: {  	_ =	swait.ge [sflag:s13], $0x2780  }
0xad: {  	[sflag:s13] =	ssyncset.done $0x0  }
0xae: {  	[sflag:s13] =	ssyncadd.s32 $0xFFFFD880  }
0xaf: {  	_ =	sfence.sel $0x180000  }
0xb0: {  	[bflag:$0x0] =	sbarrier.arrive $0xFFFF  }
0xb1: {  	p0 =	sne.s32 s0, $0x0;
	_ =	strace $0x90000047  }
0xb2: {  	s0 =	sadd.s32 @!p0 $0x100000, s1;
	[bflag:$0x2] =	sbarrier.arrive $0xFFFF  }
0xb3: {  	[sflag:s0] =	ssyncadd.tile.s32 @!p0 $0x1;
	_ =	shalt  }
.Lfunc_end2:
_tile_overlayer_lowered:
.L_overlay_start_2:
0xb4: {  	(tag) =	ssettag $0x2  }
0xb5: {  	s0 =	rddreg [dreg:$0x0];
	s2 =	stileid.u32  }
0xb6: {  	s1 =	rddreg [dreg:$0x1];
	p0 =	sne.s32 s2, $0x0  }
0xb7: {  	s3 =	rddreg [dreg:$0x2];
	[bflag:$0x3] =	sbarrier.arrive $0xFFFF;
	s2 =	simm.s32 @!p0 $0x1C01  }
0xb8: {  	[timem:s3], [sflag:s2] =	dma.local @!p0 [hbm:s0], s1  }
0xb9: {  	s0 =	simm.s32 @!p0 $0x1  }
0xba: {  	_ =	swait.ge @!p0 [sflag:s0], s1  }
0xbb: {  	s1 =	ssub.s32 @!p0 $0x0, s1;
	[sflag:s0] =	ssyncset.done @!p0 $0x0  }
0xbc: {  	[sflag:s0] =	ssyncadd.s32 @!p0 s1  }
0xbd: {  	[bflag:$0x3] =	sbarrier.arrive $0xFFFF  }
0xbe: {  	_ =	shalt  }

// kernel: kernel.9.cloned.1.call-start
scs
__scs_entry_jumppad:
0x0: {  	(pc) =	sbr.rel $0x88, $3  }
0x1: {  	(tag) =	ssettag $0x0;
	lr =	simm.s32 $0x1  }
0x2: {  	[smem:$0x3F9D] =	sst lr;
	_ =	strace $0xD0000000  }
0x3: {  	_ = 	snop  }
0x4: {  	_ = 	snop  }
0x5: {  	_ = 	snop  }
0x6: {  	_ = 	snop  }
0x7: {  	_ = 	snop  }
__scs_overlays_trampoline_lowered:
0x8: {  	[smem:$0x3FAC] =	sst s0  }
0x9: {  	[smem:$0x3FAD] =	sst s1  }
0xa: {  	[smem:$0x3FAE] =	sst s2  }
0xb: {  	[smem:$0x3FAF] =	sst s3  }
0xc: {  	[smem:$0x3FB0] =	sst s4  }
0xd: {  	[smem:$0x3FB1] =	sst s5  }
0xe: {  	[smem:$0x3FB2] =	sst s6  }
0xf: {  	[smem:$0x3FB3] =	sst s7  }
0x10: {  	[smem:$0x3FB4] =	sst s8  }
0x11: {  	[smem:$0x3FB5] =	sst s9;
	s0 =	simm.s32 @!p0 $0x0  }
0x12: {  	s1 =	sld [smem:$0x3F9B];
	s0 =	simm.s32 @p0 $0x1  }
0x13: {  	[smem:$0x3FB6] =	sst s0;
	s0 =	simm.s32 @!p1 $0x0  }
0x14: {  	s2 =	sld [smem:$0x3F9A];
	s0 =	simm.s32 @p1 $0x1  }
0x15: {  	[smem:$0x3FB7] =	sst s0;
	s0 =	simm.s32 @!p2 $0x0  }
0x16: {  	s3 =	sld [smem:$0x3FDB];
	s0 =	simm.s32 @p2 $0x1  }
0x17: {  	s4 =	simm.s32 $0x1BF5;
	[smem:$0x3FB9] =	sst s0  }
0x18: {  	s0 =	sld [smem:$0x3F9C];
	_ =	swait.ge [sflag:s4], $0x0  }
0x19: {  	s7 =	sld [smem:$0x3F9D]  }
0x1a: {  	s8 =	sadd.s32 $0xFFFFE003, lr  }
0x1b: {  	s9 =	sadd.s32 $0xFFFFFEF7, lr;
	s5 =	simm.s32 $0xFFFFFFFF;
	p2 =	slt.u32 s8, $0xFFFFF086  }
0x1c: {  	p1 =	slt.u32 s9, $0xF7A;
	s5 =	simm.s32 @!p2 $0x0  }
0x1d: {  	s5 =	simm.s32 @p1 $0x1;
	p0 =	seq.s32 s7, s2  }
0x1e: {  	s7 =	smul.u32 @!p0 $0xF7A, s2;
	p2 =	seq.s32 @!p0 s5, $0x0  }
0x1f: {  	s9 =	smul.u32 $0xF7A, s1;
	s8 =	simm.s32 @!p0 $0x1BF5;
	p2 =	por !p2, p0  }
0x20: {  	[sflag:s8] =	ssyncset.s32 @!p0 $0xFFFFF086;
	s6 =	sadd.s32 @!p0 s3, s7;
	s7 =	simm.s32 @!p0 $0x108  }
0x21: {  	s3 =	sadd.s32 s3, s9;
	s6 =	sadd.s32 @!p0 $0x88, s6;
	s7 =	simm.s32 @p2 $0x1082  }
0x22: {  	[simem:s7], [sflag:s8] =	dma.local @!p0 [hbm:s6], $0xF7A  }
0x23: {  	s9 =	sor.u32 $0xD0000000, s2;
	s6 =	simm.s32 $0x108;
	_ =	swait.ge @!p0 [sflag:s8], $0x0  }
0x24: {  	s3 =	sadd.s32 $0x88, s3;
	s6 =	simm.s32 @!p1 $0x1082;
	[sflag:s4] =	ssyncset.s32 $0xFFFFF086  }
0x25: {  	[simem:s6], [sflag:s4] =	dma.local [hbm:s3], $0xF7A  }
0x26: {  	[smem:$0x3F9D] =	sst s1;
	(tag) =	ssettag s2;
	_ =	strace s9  }
0x27: {  	s1 =	sld [smem:$0x3FAD]  }
0x28: {  	s2 =	sld [smem:$0x3FAE]  }
0x29: {  	s4 =	sld [smem:$0x3FB0]  }
0x2a: {  	p0 =	seq.s32 s5, $0x0;
	s5 =	sld [smem:$0x3FB1]  }
0x2b: {  	s6 =	sld [smem:$0x3FB2]  }
0x2c: {  	s7 =	sld [smem:$0x3FB3]  }
0x2d: {  	s3 =	simm.s32 $0x108;
	s8 =	sld [smem:$0x3FB4]  }
0x2e: {  	s3 =	simm.s32 @!p0 $0x1082;
	s9 =	sld [smem:$0x3FB5]  }
0x2f: {  	lr =	sadd.s32 s0, s3;
	s0 =	sld [smem:$0x3FAC]  }
0x30: {  	s3 =	sld [smem:$0x3FAF]  }
0x31: {  	[smem:$0x3FB8] =	sst s10  }
0x32: {  	s10 =	sld [smem:$0x3FB6];
	_ =	sdelay $0x3  }
0x33: {  	p0 =	seq.s32 s10, $0x1;
	s10 =	sld [smem:$0x3FB8];
	_ =	sdelay $0x3  }
0x34: {  	[smem:$0x3FB8] =	sst s10  }
0x35: {  	s10 =	sld [smem:$0x3FB7];
	_ =	sdelay $0x3  }
0x36: {  	p1 =	seq.s32 s10, $0x1;
	s10 =	sld [smem:$0x3FB8];
	_ =	sdelay $0x3  }
0x37: {  	[smem:$0x3FB8] =	sst s10  }
0x38: {  	s10 =	sld [smem:$0x3FB9]  }
0x39: {  	_ = 	snop;
	(pc) =	sbr.ind lr, $3  }
0x3a: {  	_ = 	snop  }
0x3b: {  	_ = 	snop  }
0x3c: {  	p2 =	seq.s32 s10, $0x1;
	s10 =	sld [smem:$0x3FB8]  }
0x3d: {  	_ =	shalt  }
0x3e: {  	_ =	shalt  }
0x3f: {  	_ =	shalt  }
0x40: {  	_ =	shalt  }
0x41: {  	_ =	shalt  }
0x42: {  	_ =	shalt  }
0x43: {  	_ =	shalt  }
0x44: {  	_ =	shalt  }
0x45: {  	_ =	shalt  }
0x46: {  	_ =	shalt  }
0x47: {  	_ =	shalt  }
0x48: {  	_ =	shalt  }
0x49: {  	_ =	shalt  }
0x4a: {  	_ =	shalt  }
0x4b: {  	_ =	shalt  }
0x4c: {  	_ =	shalt  }
0x4d: {  	_ =	shalt  }
0x4e: {  	_ =	shalt  }
0x4f: {  	_ =	shalt  }
0x50: {  	_ =	shalt  }
0x51: {  	_ =	shalt  }
0x52: {  	_ =	shalt  }
0x53: {  	_ =	shalt  }
0x54: {  	_ =	shalt  }
0x55: {  	_ =	shalt  }
0x56: {  	_ =	shalt  }
0x57: {  	_ =	shalt  }
0x58: {  	_ =	shalt  }
0x59: {  	_ =	shalt  }
0x5a: {  	_ =	shalt  }
0x5b: {  	_ =	shalt  }
0x5c: {  	_ =	shalt  }
0x5d: {  	_ =	shalt  }
0x5e: {  	_ =	shalt  }
0x5f: {  	_ =	shalt  }
0x60: {  	_ =	shalt  }
0x61: {  	_ =	shalt  }
0x62: {  	_ =	shalt  }
0x63: {  	_ =	shalt  }
0x64: {  	_ =	shalt  }
0x65: {  	_ =	shalt  }
0x66: {  	_ =	shalt  }
0x67: {  	_ =	shalt  }
0x68: {  	_ =	shalt  }
0x69: {  	_ =	shalt  }
0x6a: {  	_ =	shalt  }
0x6b: {  	_ =	shalt  }
0x6c: {  	_ =	shalt  }
0x6d: {  	_ =	shalt  }
0x6e: {  	_ =	shalt  }
0x6f: {  	_ =	shalt  }
0x70: {  	_ =	shalt  }
0x71: {  	_ =	shalt  }
0x72: {  	_ =	shalt  }
0x73: {  	_ =	shalt  }
0x74: {  	_ =	shalt  }
0x75: {  	_ =	shalt  }
0x76: {  	_ =	shalt  }
0x77: {  	_ =	shalt  }
0x78: {  	_ =	shalt  }
0x79: {  	_ =	shalt  }
0x7a: {  	_ =	shalt  }
0x7b: {  	_ =	shalt  }
0x7c: {  	_ =	shalt  }
0x7d: {  	_ =	shalt  }
0x7e: {  	_ =	shalt  }
0x7f: {  	_ =	shalt  }
0x80: {  	_ =	shalt  }
0x81: {  	_ =	shalt  }
0x82: {  	_ =	shalt  }
0x83: {  	_ =	shalt  }
0x84: {  	_ =	shalt  }
0x85: {  	_ =	shalt  }
0x86: {  	_ =	shalt  }
0x87: {  	_ =	shalt  }
.Lfunc_end0:
.L_simem_size_0:
called_computation.1_lowered:
.L_overlay_start_0:
0x88: {  	s2 =	sld [smem:$0x3FD9]  }
0x89: {  	s3 =	sld [smem:$0x3FFE];
	_ =	sdelay $0x1  }
0x8a: {  	s1 =	srdreg.scid  }
0x8b: {  	s0 =	sand.u32 $0x1, s1  }
0x8c: {  	s17 =	sshll.u32 s0, $0xA;
	s2 =	sadd.s32 s3, s2  }
0x8d: {  	s2 =	sadd.s32 s2, s17  }
0x8e: {  	[smem:$0x3FC4] =	sst s2  }
0x8f: {  	_ = 	snop  }
0x90: {  	s18 =	sld [smem:$0x3FD0];
	(tm) =	ssettm $0x1  }
0x91: {  	s19 =	sld [smem:$0x3FFB];
	_ =	sdelay $0x3  }
0x92: {  	_ =	strace s19  }
0x93: {  	s2 =	sld [smem:$0x3FFC];
	_ =	sdelay $0x3  }
0x94: {  	_ =	strace s2  }
0x95: {  	s2 =	sld [smem:$0x3FFD];
	_ =	sdelay $0x3  }
0x96: {  	_ =	strace s2  }
0x97: {  	_ =	strace $0x8FFFFFFF  }
0x98: {  	s20 =	sld [smem:$0x3FDB];
	_ =	sdelay $0x1  }
0x99: {  	s4 =	simm.s32 $_scs_section_size  }
0x9a: {  	s5 =	simm.s32 $_size__tile_overlayer_lowered;
	s6 =	simm.s32 $_tile_overlayer_lowered  }
0x9b: {  	s7 =	simm.s32 $0x1BFF;
	s21 =	sshll.u32 s6, $0x1;
	s4 =	sadd.s32 s4, s20  }
0x9c: {  	s22 =	simm.s32 $0x0;
	s5 =	sshll.u32 s5, $0x1;
	s6 =	sadd.s32 s21, s4  }
0x9d: {  	[timem:s22], [sflag:s7] =	dma.local [hbm:s6], s5  }
0x9e: {  	_ =	swait.ge [sflag:s7], s5  }
0x9f: {  	s5 =	ssub.s32 $0x0, s5;
	[sflag:s7] =	ssyncset.done $0x0  }
0xa0: {  	[sflag:s7] =	ssyncadd.s32 s5;
	_ =	sdelay $0x1  }
0xa1: {  	s23 =	simm.s32 $0x1B8B  }
0xa2: {  	_ =	swait.ge [sflag:s23], $0x1  }
0xa3: {  	[sflag:s23] =	ssyncset.done $0x0  }
0xa4: {  	[sflag:s23] =	ssyncadd.s32 $0xFFFFFFFF  }
0xa5: {  	s5 =	sld [smem:$0x0]  }
0xa6: {  	s6 =	sand.u32 $0xFFFFFFFE, s1  }
0xa7: {  	p0 =	sne.s32 s1, s6  }
0xa8: {  	s6 =	sshll.u32 @p0 s6, $0xE  }
0xa9: {  	s6 =	sadd.s32 @p0 $0x11B8D, s6;
	s7 =	sshll.u32 @p0 s5, $0x11  }
0xaa: {  	s6 =	sor.u32 @p0 s7, s6  }
0xab: {  	[sflag:s6] =	ssyncadd.remote.s32 @p0 $0x1;
	_ =	sdelay $0x1  }
0xac: {  	s6 =	simm.s32 @p0 $0x1B8D  }
0xad: {  	_ =	swait.eq @p0 [sflag:s6], $0x1  }
0xae: {  	[sflag:s6] =	ssyncadd.s32 @p0 $0xFFFFFFFF  }
0xaf: {  	s7 =	sshll.u32 @!p0 s1, $0xE  }
0xb0: {  	s7 =	sor.u32 @!p0 $0x4000, s7;
	s6 =	simm.s32 @!p0 $0x1B8D  }
0xb1: {  	s5 =	sshll.u32 @!p0 s5, $0x11;
	s7 =	sadd.s32 @!p0 $0x11B8D, s7;
	_ =	swait.eq @!p0 [sflag:s6], $0x1  }
0xb2: {  	s5 =	sor.u32 @!p0 s5, s7;
	[sflag:s6] =	ssyncadd.s32 @!p0 $0xFFFFFFFF  }
0xb3: {  	s25 =	simm.s32 $0x1B8E;
	s24 =	sld [smem:$0x3FFE];
	[sflag:s5] =	ssyncadd.remote.s32 @!p0 $0x1  }
0xb4: {  	s26 =	simm.s32 $execute0_lowered;
	[smem:$0x3FD2] =	sst s25  }
0xb5: {  	s6 =	sshll.u32 s26, $0x1;
	_ =	strace $0x80000049;
	[dreg:$0x1] =	wrdreg $0xFFFFFFFF  }
0xb6: {  	s28 =	simm.s32 $_size_execute0_lowered;
	s4 =	sadd.s32 s4, s6;
	[dreg:$0x0] =	wrdreg $0x0  }
0xb7: {  	s6 =	sshll.u32 s28, $0x1;
	[dreg:$0x2] =	wrdreg s4  }
0xb8: {  	[dreg:$0x3] =	wrdreg s6  }
0xb9: {  	[dreg:$0x4] =	wrdreg $0xC0  }
0xba: {  	_ =	task [dreg:s22], $0x5FFFF  }
0xbb: {  	[dreg:$0x1] =	wrdreg $0xFFFFFFFF  }
0xbc: {  	[dreg:$0x0] =	wrdreg $0x60  }
0xbd: {  	[dreg:$0x2] =	wrdreg s24  }
0xbe: {  	[dreg:$0x3] =	wrdreg s18  }
0xbf: {  	[dreg:$0x4] =	wrdreg $0x80000  }
0xc0: {  	[dreg:$0x5] =	wrdreg $0xA  }
0xc1: {  	_ =	task.clear_ibuf [dreg:s22], $0x6FFFF;
	_ =	strace $0x90000049  }
0xc2: {  	s29 =	simm.s32 $0xA;
	_ =	strace $0x8000004B  }
0xc3: {  	_ =	swait.ge [sflag:s29], $0x1  }
0xc4: {  	[sflag:s29] =	ssyncadd.s32 $0xFFFFFFFF  }
0xc5: {  	_ =	strace $0x9000004B  }
0xc6: {  	_ =	sfence  }
0xc7: {  	s30 =	sld [smem:$0x0];
	_ =	sdelay $0x2  }
0xc8: {  	s31 =	sshll.u32 s1, $0xD;
	s1 =	sshrl.u32 s1, $0x2  }
0xc9: {  	s4 =	sand.u32 $0x4000, s31;
	s1 =	sadd.s32 s1, s30  }
0xca: {  	s0 =	sor.u32 s4, s0;
	s1 =	sshll.u32 s1, $0x11  }
0xcb: {  	s0 =	sor.u32 s1, s0  }
0xcc: {  	s0 =	sadd.s32 $0x8F2B, s0  }
0xcd: {  	[sflag:s0] =	ssyncadd.remote.s32 $0x1  }
0xce: {  	_ =	sfence.sel $0xFFFF  }
0xcf: {  	[dreg:$0x0] =	wrdreg $0xFFFFFFFF;
	(pc) =	sbr.abs _section_cstart, $3  }
0xd0: {  	[dreg:$0x1] =	wrdreg $0xFFFFFFFF  }
0xd1: {  	_ =	task.clear_ibuf [dreg:s22], $0x2FFFF;
	_ =	strace $0x9FFFFFFF  }
0xd2: {  	(tm) =	ssettm $0x7FFFFFFF  }
0xd3: {  	_ =	shalt  }
tec
execute0_lowered:
.L_overlay_start_1:
0x0: {  	(tag) =	ssettag $0x1  }
0x1: {  	s0 =	rddreg [dreg:$0x0]  }
0x2: {  	s1 =	srdreg.scid;
	s2 =	rddreg [dreg:$0x1]  }
0x3: {  	s25 =	stileid.u32;
	s3 =	rddreg [dreg:$0x2]  }
0x4: {  	s4 =	simm.s32 $0x0;
	s18 =	simm.s32 $0x5;
	s19 =	simm.s32 $0x50  }
0x5: {  	s20 =	simm.s32 $0x2000;
	s21 =	simm.s32 $0x1;
	s22 =	simm.s32 $0x5800  }
0x6: {  	s28 =	simm.s32 $0x1C00;
	s29 =	simm.s32 $0x0;
	s6 =	smul.u32 $0x1F400, s25  }
0x7: {  	s1 =	sand.u32 $0x1, s1;
	[smem:$0x7FF] =	sst s4;
	s9 =	smul.u32 $0x7D000, s25  }
0x8: {  	s24 =	smul.u32 $0xA000, s25;
	s17 =	sor.u32 $0x70, s25;
	p1 =	sgt.u32 s25, $0x9  }
0x9: {  	s8 =	sshll.u32 s25, $0x1;
	s5 =	smul.u32 $0x138800, s1;
	_ =	strace $0x8000004A  }
0xa: {  	s23 =	ssub.s32 $0x2, s1;
	s1 =	sor.u32 s1, s8;
	s31 =	smul.u32 $0xA000, s17  }
0xb: {  	p0 =	sgt.u32 s17, $0x7C;
	s17 =	simm.s32 $0x3000;
	s7 =	sshrl.u32 s23, $0x1  }
0xc: {  	s26 =	sshrl.u32 s9, $0x2;
	s30 =	sshrl.u32 s24, $0x2;
	s24 =	simm.s32 $0x3  }
0xd: {  	s5 =	sadd.s32 s6, s5;
	s10 =	ssub.s32 s23, s7;
	s9 =	sadd.s32 s30, s3  }
0xe: {  	s23 =	simm.s32 $0x2;
	s6 =	sshrl.u32 s5, $0x3;
	s5 =	sadd.s32 $0x14A00, s0  }
0xf: {  	s8 =	smax.u32 s10, $0x1;
	s10 =	sadd.s32 $0x28000, s9;
	s11 =	sadd.s32 $0x50000, s9  }
0x10: {  	s12 =	sadd.s32 $0x78000, s9;
	s13 =	sadd.s32 $0xA0000, s9;
	s14 =	sadd.s32 $0xC8000, s9  }
0x11: {  	s15 =	sadd.s32 $0xF0000, s9;
	s0 =	sadd.s32 s6, s0;
	s6 =	smul.u32 $0x5000, s1  }
0x12: {  	s1 =	sshrl.u32 s31, $0x2;
	s7 =	sadd.s32 $0x285A00, s0;
	s0 =	sadd.s32 s26, s3  }
0x13: {  	v0 =	vimm.f32 $0.0e+00;
	s16 =	sadd.s32 s1, s3;
	s26 =	simm.s32 $0x4;
	s25 =	sshrl.u32 @!p1 s0, $0x3  }
.LBB2_1:
0x14: {  	s0 =	simm.s32 $0x70;
	s1 =	simm.s32 $0x3C0  }
.LBB2_2:
0x15: {  	p2 =	sne.s32 s1, $0x9FC0;
	[tilespmem:s0+$0x3000] =	vst v0  }
0x16: {  	[tilespmem:s0+$0x2F90] =	vst v0  }
0x17: {  	[tilespmem:s0+$0x2FA0] =	vst v0  }
.Ltmp0:
0x18: {  	[tilespmem:s0+$0x2FB0] =	vst v0;
	(pc) =	sbr.rel @p2 .LBB2_2-.Ltmp0, $4  }
0x19: {  	[tilespmem:s0+$0x2FC0] =	vst v0  }
0x1a: {  	[tilespmem:s0+$0x2FD0] =	vst v0  }
0x1b: {  	[tilespmem:s0+$0x2FE0] =	vst v0  }
0x1c: {  	[tilespmem:s0+$0x2FF0] =	vst v0;
	s0 =	sshra.s32 s1, $0x2;
	s1 =	sadd.s32 $0x200, s1  }
0x1d: {  	[tilespmem:s0+$0x3000] =	vst v0  }
0x1e: {  	[tilespmem:s0+$0x2F90] =	vst v0  }
0x1f: {  	[tilespmem:s0+$0x2FA0] =	vst v0  }
0x20: {  	[tilespmem:s0+$0x2FB0] =	vst v0  }
0x21: {  	[tilespmem:s0+$0x2FC0] =	vst v0  }
0x22: {  	[tilespmem:s0+$0x2FD0] =	vst v0  }
0x23: {  	[tilespmem:s0+$0x2FE0] =	vst v0  }
0x24: {  	[tilespmem:s0+$0x2FF0] =	vst v0  }
0x25: {  	[spmem:s9] =	stream.linear.scatter [tilespmem:s17], [sflag:$0x5], $0x2800, $0x38;
	[tilespmem:$0x1B880] =	vst v63  }
0x26: {  	_ =	swait.ge [sflag:s18], $0x2800  }
0x27: {  	[sflag:s18] =	ssyncset.done $0x0  }
0x28: {  	[sflag:s18] =	ssyncadd.s32 $0xFFFFD800  }
0x29: {  	[spmem:s10] =	stream.linear.scatter [tilespmem:s17], [sflag:$0x5], $0x2800, $0x38;
	[tilespmem:$0x1B880] =	vst v63  }
0x2a: {  	_ =	swait.ge [sflag:s18], $0x2800  }
0x2b: {  	[sflag:s18] =	ssyncset.done $0x0  }
0x2c: {  	[sflag:s18] =	ssyncadd.s32 $0xFFFFD800  }
0x2d: {  	[spmem:s11] =	stream.linear.scatter [tilespmem:s17], [sflag:$0x5], $0x2800, $0x38;
	[tilespmem:$0x1B880] =	vst v63  }
0x2e: {  	_ =	swait.ge [sflag:s18], $0x2800  }
0x2f: {  	[sflag:s18] =	ssyncset.done $0x0  }
0x30: {  	[sflag:s18] =	ssyncadd.s32 $0xFFFFD800  }
0x31: {  	[spmem:s12] =	stream.linear.scatter [tilespmem:s17], [sflag:$0x5], $0x2800, $0x38;
	[tilespmem:$0x1B880] =	vst v63  }
0x32: {  	_ =	swait.ge [sflag:s18], $0x2800  }
0x33: {  	[sflag:s18] =	ssyncset.done $0x0  }
0x34: {  	[sflag:s18] =	ssyncadd.s32 $0xFFFFD800  }
0x35: {  	[spmem:s13] =	stream.linear.scatter [tilespmem:s17], [sflag:$0x5], $0x2800, $0x38;
	[tilespmem:$0x1B880] =	vst v63  }
0x36: {  	_ =	swait.ge [sflag:s18], $0x2800  }
0x37: {  	[sflag:s18] =	ssyncset.done $0x0  }
0x38: {  	[sflag:s18] =	ssyncadd.s32 $0xFFFFD800  }
0x39: {  	[spmem:s14] =	stream.linear.scatter [tilespmem:s17], [sflag:$0x5], $0x2800, $0x38;
	[tilespmem:$0x1B880] =	vst v63  }
0x3a: {  	_ =	swait.ge [sflag:s18], $0x2800  }
0x3b: {  	[sflag:s18] =	ssyncset.done $0x0  }
0x3c: {  	[sflag:s18] =	ssyncadd.s32 $0xFFFFD800  }
0x3d: {  	[spmem:s15] =	stream.linear.scatter [tilespmem:s17], [sflag:$0x5], $0x2800, $0x38;
	[tilespmem:$0x1B880] =	vst v63  }
0x3e: {  	_ =	swait.ge [sflag:s18], $0x2800  }
0x3f: {  	[sflag:s18] =	ssyncset.done $0x0  }
0x40: {  	s0 =	simm.s32 @!p0 $0x3000;
	[sflag:s18] =	ssyncadd.s32 $0xFFFFD800  }
0x41: {  	[spmem:s16] =	stream.linear.scatter @!p0 [tilespmem:s0], [sflag:$0x5], $0x2800, $0x38;
	[tilespmem:$0x1B880] =	vst v63  }
0x42: {  	s0 =	simm.s32 @!p0 $0x5  }
0x43: {  	_ =	swait.ge @!p0 [sflag:s0], $0x2800  }
0x44: {  	[sflag:s0] =	ssyncset.done @!p0 $0x0  }
0x45: {  	[sflag:s0] =	ssyncadd.s32 @!p0 $0xFFFFD800  }
0x46: {  	s30 =	simm.s32 $0x0;
	[bflag:$0x0] =	sbarrier.arrive $0xFFFF  }
.LBB2_4:
0x47: {  	s0 =	sshll.u32 s30, $0xC  }
0x48: {  	s0 =	sadd.s32 s6, s0  }
0x49: {  	s0 =	sshrl.u32 s0, $0x3  }
0x4a: {  	s0 =	sadd.s32 s2, s0  }
0x4b: {  	[tilespmem:s29], [sflag:$0x5] =	stream.linear.gather [hbm4b:s0+s29], $0xC80, $0x38;
	[tilespmem:$0x1B880] =	vst v63  }
0x4c: {  	_ =	swait.ge [sflag:s18], $0xC80  }
0x4d: {  	[sflag:s18] =	ssyncset.done $0x0  }
0x4e: {  	s31 =	simm.s32 $0x0;
	[sflag:s18] =	ssyncadd.s32 $0xFFFFF380  }
0x4f: {  	v1 =	vld [tilespmem:s31+$0x40]  }
0x50: {  	v2 =	vld [tilespmem:s31+$0x0]  }
0x51: {  	v3 =	vld [tilespmem:s31+$0x10]  }
0x52: {  	v6 =	vld [tilespmem:s31+$0x20]  }
0x53: {  	v7 =	vld [tilespmem:s31+$0x30]  }
0x54: {  	v4 =	vand.u32 $0x3FFF, v1  }
0x55: {  	v5 =	vshrl.u32 v2, $0xE;
	[tilespmem:s31+$0x1040] =	vst v4  }
0x56: {  	v1 =	vshrl.u32 v1, $0xE;
	v2 =	vand.u32 $0x3FFF, v2;
	[tilespmem:s31+$0x2000] =	vst v5  }
0x57: {  	v8 =	vshrl.u32 v3, $0xE;
	v4 =	vand.u32 $0x3FFF, v3;
	[tilespmem:s31+$0x1000] =	vst v2;
	v5 =	vshrl.u32 v6, $0xE  }
0x58: {  	s1 =	simm.s32 $0x80;
	s0 =	simm.s32 $0x400;
	v2 =	vand.u32 $0x3FFF, v6;
	[tilespmem:s31+$0x2010] =	vst v8;
	v6 =	vshrl.u32 v7, $0xE;
	v3 =	vand.u32 $0x3FFF, v7  }
.LBB2_5:
0x59: {  	p2 =	sne.s32 s0, $0x3000;
	v7 =	vld [tilespmem:s1+$0x40];
	[tilespmem:s31+$0x1010] =	vst v4  }
0x5a: {  	v4 =	vld [tilespmem:s1+$0x0];
	[tilespmem:s31+$0x2020] =	vst v5  }
0x5b: {  	v5 =	vld [tilespmem:s1+$0x10];
	[tilespmem:s31+$0x1020] =	vst v2  }
0x5c: {  	v2 =	vld [tilespmem:s1+$0x20];
	[tilespmem:s31+$0x2030] =	vst v6  }
0x5d: {  	v8 =	vld [tilespmem:s1+$0x30];
	[tilespmem:s31+$0x1030] =	vst v3  }
.Ltmp1:
0x5e: {  	v3 =	vand.u32 $0x3FFF, v7;
	[tilespmem:s31+$0x2040] =	vst v1;
	v1 =	vshrl.u32 v7, $0xE;
	s31 =	smov.u32 s1;
	(pc) =	sbr.rel @p2 .LBB2_5-.Ltmp1, $4  }
0x5f: {  	v6 =	vshrl.u32 v4, $0xE;
	v7 =	vand.u32 $0x3FFF, v4;
	[tilespmem:s31+$0x1040] =	vst v3  }
0x60: {  	[tilespmem:s31+$0x2000] =	vst v6;
	v3 =	vshrl.u32 v5, $0xE;
	v4 =	vand.u32 $0x3FFF, v5  }
0x61: {  	[tilespmem:s31+$0x1000] =	vst v7;
	v5 =	vshrl.u32 v2, $0xE;
	v2 =	vand.u32 $0x3FFF, v2  }
0x62: {  	s1 =	sshra.s32 s0, $0x2;
	s0 =	sadd.s32 $0x200, s0;
	[tilespmem:s31+$0x2010] =	vst v3;
	v6 =	vshrl.u32 v8, $0xE;
	v3 =	vand.u32 $0x3FFF, v8  }
0x63: {  	v7 =	vld [tilespmem:s1+$0x40];
	[tilespmem:s31+$0x1010] =	vst v4  }
0x64: {  	v4 =	vld [tilespmem:s1+$0x0];
	[tilespmem:s31+$0x2020] =	vst v5  }
0x65: {  	v5 =	vld [tilespmem:s1+$0x10];
	[tilespmem:s31+$0x1020] =	vst v2  }
0x66: {  	v2 =	vld [tilespmem:s1+$0x20];
	[tilespmem:s31+$0x2030] =	vst v6  }
0x67: {  	v6 =	vld [tilespmem:s1+$0x30];
	[tilespmem:s31+$0x1030] =	vst v3  }
0x68: {  	[tilespmem:s31+$0x2040] =	vst v1;
	v3 =	vand.u32 $0x3FFF, v7  }
0x69: {  	v1 =	vshrl.u32 v4, $0xE;
	[tilespmem:s1+$0x1040] =	vst v3  }
0x6a: {  	v3 =	vand.u32 $0x3FFF, v4;
	[tilespmem:s1+$0x2000] =	vst v1  }
0x6b: {  	v1 =	vshrl.u32 v5, $0xE;
	[tilespmem:s1+$0x1000] =	vst v3  }
0x6c: {  	v3 =	vand.u32 $0x3FFF, v5;
	[tilespmem:s1+$0x2010] =	vst v1  }
0x6d: {  	v1 =	vshrl.u32 v2, $0xE;
	[tilespmem:s1+$0x1010] =	vst v3  }
0x6e: {  	v2 =	vand.u32 $0x3FFF, v2;
	[tilespmem:s1+$0x2020] =	vst v1  }
0x6f: {  	v1 =	vshrl.u32 v6, $0xE;
	[tilespmem:s1+$0x1020] =	vst v2  }
0x70: {  	v2 =	vand.u32 $0x3FFF, v6;
	[tilespmem:s1+$0x2030] =	vst v1  }
0x71: {  	v1 =	vshrl.u32 v7, $0xE;
	[tilespmem:s1+$0x1030] =	vst v2  }
0x72: {  	[tilespmem:s1+$0x2040] =	vst v1  }
0x73: {  	[tilespmem:s17], [sflag:$0x1] =	stream.indirect.gather [hbm4b:s5+s19], $0x80, s20, s19, $0xb8;
	[tilespmem:$0x1B880] =	vst v63  }
0x74: {  	_ =	swait.ge [sflag:s21], $0x2800  }
0x75: {  	[sflag:s21] =	ssyncset.done $0x0  }
0x76: {  	s0 =	simm.s32 $0x2080;
	[sflag:s21] =	ssyncadd.s32 $0xFFFFD800  }
0x77: {  	[tilespmem:s22], [sflag:$0x2] =	stream.indirect.gather [hbm4b:s5+s19], $0x80, s0, s19, $0xb8;
	[tilespmem:$0x1B880] =	vst v63  }
0x78: {  	s31 =	simm.s32 $0x1000  }
0x79: {  	[spmem:s3] =	stream.indirect.scatter.add.f32 [tilespmem:s17], [sflag:$0x3], $0x80, s31, s19, $0xb8;
	[tilespmem:$0x1B880] =	vst v63  }
0x7a: {  	_ =	swait.ge [sflag:s23], $0x2800  }
0x7b: {  	[sflag:s23] =	ssyncset.done $0x0  }
0x7c: {  	[sflag:s23] =	ssyncadd.s32 $0xFFFFD800  }
0x7d: {  	_ =	swait.ge [sflag:s24], $0x2800  }
0x7e: {  	[sflag:s24] =	ssyncset.done $0x0  }
0x7f: {  	s1 =	simm.s32 $0x2100;
	[sflag:s24] =	ssyncadd.s32 $0xFFFFD800  }
0x80: {  	[tilespmem:s17], [sflag:$0x1] =	stream.indirect.gather [hbm4b:s5+s19], $0x80, s1, s19, $0xb8;
	[tilespmem:$0x1B880] =	vst v63  }
0x81: {  	s31 =	simm.s32 $0x1080  }
0x82: {  	[spmem:s3] =	stream.indirect.scatter.add.f32 [tilespmem:s22], [sflag:$0x4], $0x80, s31, s19, $0xb8;
	[tilespmem:$0x1B880] =	vst v63  }
0x83: {  	_ =	swait.ge [sflag:s26], $0x2800  }
0x84: {  	s1 =	simm.s32 $0x400;
	[sflag:s26] =	ssyncset.done $0x0  }
.LBB2_7:
0x85: {  	p2 =	sne.s32 s1, $0x2C00  }
0x86: {  	[sflag:s26] =	ssyncadd.s32 $0xFFFFD800;
	s0 =	smov.u32 s1;
	s1 =	sadd.s32 $0x400, s1  }
0x87: {  	_ = 	snop  }
0x88: {  	_ =	swait.ge [sflag:s21], $0x2800  }
0x89: {  	s0 =	sshra.s32 s0, $0x2;
	[sflag:s21] =	ssyncset.done $0x0  }
0x8a: {  	s31 =	sadd.s32 $0x2080, s0;
	[sflag:s21] =	ssyncadd.s32 $0xFFFFD800  }
0x8b: {  	[tilespmem:s22], [sflag:$0x2] =	stream.indirect.gather [hbm4b:s5+s19], $0x80, s31, s19, $0xb8;
	[tilespmem:$0x1B880] =	vst v63  }
0x8c: {  	s31 =	sadd.s32 $0x1000, s0  }
0x8d: {  	[spmem:s3] =	stream.indirect.scatter.add.f32 [tilespmem:s17], [sflag:$0x3], $0x80, s31, s19, $0xb8;
	[tilespmem:$0x1B880] =	vst v63  }
0x8e: {  	_ =	swait.ge [sflag:s23], $0x2800  }
0x8f: {  	[sflag:s23] =	ssyncset.done $0x0  }
0x90: {  	[sflag:s23] =	ssyncadd.s32 $0xFFFFD800  }
0x91: {  	_ =	swait.ge [sflag:s24], $0x2800  }
0x92: {  	[sflag:s24] =	ssyncset.done $0x0  }
0x93: {  	s31 =	sadd.s32 $0x2100, s0;
	[sflag:s24] =	ssyncadd.s32 $0xFFFFD800  }
0x94: {  	[tilespmem:s17], [sflag:$0x1] =	stream.indirect.gather [hbm4b:s5+s19], $0x80, s31, s19, $0xb8;
	[tilespmem:$0x1B880] =	vst v63  }
.Ltmp2:
0x95: {  	_ = 	snop;
	(pc) =	sbr.rel @p2 .LBB2_7-.Ltmp2, $4  }
0x96: {  	s0 =	sadd.s32 $0x1080, s0  }
0x97: {  	[spmem:s3] =	stream.indirect.scatter.add.f32 [tilespmem:s22], [sflag:$0x4], $0x80, s0, s19, $0xb8;
	[tilespmem:$0x1B880] =	vst v63  }
0x98: {  	_ =	swait.ge [sflag:s26], $0x2800  }
0x99: {  	[sflag:s26] =	ssyncset.done $0x0  }
0x9a: {  	[sflag:s26] =	ssyncadd.s32 $0xFFFFD800  }
0x9b: {  	s30 =	sadd.s32 $0x1, s30;
	_ =	swait.ge [sflag:s21], $0x2800  }
0x9c: {  	p2 =	sne.s32 s30, $0x5;
	[sflag:s21] =	ssyncset.done $0x0  }
.Ltmp3:
0x9d: {  	[sflag:s21] =	ssyncadd.s32 $0xFFFFD800;
	(pc) =	sbr.rel @p2 .LBB2_4-.Ltmp3, $4  }
0x9e: {  	[spmem:s3] =	stream.indirect.scatter.add.f32 [tilespmem:s17], [sflag:$0x3], $0x80, s28, s19, $0xb8;
	[tilespmem:$0x1B880] =	vst v63  }
0x9f: {  	_ =	swait.ge [sflag:s24], $0x2800  }
0xa0: {  	[sflag:s24] =	ssyncset.done $0x0  }
0xa1: {  	[sflag:s24] =	ssyncadd.s32 $0xFFFFD800  }
0xa2: {  	s0 =	stileid.u32  }
0xa3: {  	s4 =	sadd.s32 $0x1, s4;
	s0 =	sshll.u32 @!p1 s0, $0x6  }
0xa4: {  	[bflag:$0x0] =	sbarrier.arrive $0xFFFF;
	p2 =	sne.s32 s4, s8;
	s0 =	sor.u32 @!p1 $0x1C05, s0  }
0xa5: {  	[hbm:s7], [sflag:s0] =	dma.local @!p1 [spmem:s25], $0x3E80  }
.Ltmp4:
0xa6: {  	_ = 	snop;
	(pc) =	sbr.rel @p2 .LBB2_1-.Ltmp4, $4  }
0xa7: {  	s0 =	simm.s32 @!p1 $0x5  }
0xa8: {  	_ =	swait.ge @!p1 [sflag:s0], $0x3E80  }
0xa9: {  	[sflag:s0] =	ssyncset.done @!p1 $0x0  }
0xaa: {  	[sflag:s0] =	ssyncadd.s32 @!p1 $0xFFFFC180  }
0xab: {  	_ =	sfence.sel $0x180000  }
0xac: {  	[bflag:$0x0] =	sbarrier.arrive $0xFFFF  }
0xad: {  	_ =	strace $0x9000004A  }
0xae: {  	s0 =	stileid.u32;
	[bflag:$0x2] =	sbarrier.arrive $0xFFFF  }
0xaf: {  	p0 =	sne.s32 s0, $0x0;
	s0 =	rddreg [dreg:$0x3]  }
0xb0: {  	s0 =	sadd.s32 @!p0 $0x100000, s0  }
0xb1: {  	[sflag:s0] =	ssyncadd.tile.s32 @!p0 $0x1;
	_ =	shalt  }
.Lfunc_end2:
_tile_overlayer_lowered:
.L_overlay_start_2:
0xb2: {  	(tag) =	ssettag $0x2  }
0xb3: {  	s0 =	rddreg [dreg:$0x0];
	s2 =	stileid.u32  }
0xb4: {  	s1 =	rddreg [dreg:$0x1];
	p0 =	sne.s32 s2, $0x0  }
0xb5: {  	s3 =	rddreg [dreg:$0x2];
	[bflag:$0x3] =	sbarrier.arrive $0xFFFF;
	s2 =	simm.s32 @!p0 $0x1C05  }
0xb6: {  	[timem:s3], [sflag:s2] =	dma.local @!p0 [hbm:s0], s1  }
0xb7: {  	s0 =	simm.s32 @!p0 $0x5  }
0xb8: {  	_ =	swait.ge @!p0 [sflag:s0], s1  }
0xb9: {  	s1 =	ssub.s32 @!p0 $0x0, s1;
	[sflag:s0] =	ssyncset.done @!p0 $0x0  }
0xba: {  	[sflag:s0] =	ssyncadd.s32 @!p0 s1  }
0xbb: {  	[bflag:$0x3] =	sbarrier.arrive $0xFFFF  }
0xbc: {  	_ =	shalt  }

</sc_bundles>
